<compile_context>
chip_gen: v7x
topology: tpu7x:2x2x1
jax: 0.10.2.dev20260603
libtpu: 0.0.44.dev20260713+nightly
codegen_flags: <defaults>
</compile_context>

<pallas_src>
import functools
import math

import jax
import jax.numpy as jnp
from jax import lax
from jax.experimental import pallas as pl
from jax.experimental.pallas import tpu as pltpu
from jax.experimental.pallas import tpu_sc as plsc

NUM_SPECIES = 100
EMBED_DIM = 8
NUM_BASIS = 16
CUTOFF = 5.0
N_NODES = 100000
N_EDGES = 1600000


_NC, _NS = 2, 16
_NW = _NC * _NS
_PER_W = 3200
_N_PAD = _NW * _PER_W
_WIDTH = 2 * EMBED_DIM


def _node_gather_body(x_hbm, w_hbm, outx_hbm, outz_hbm, idx_v, tab_v, rxt_v, rzt_v, sem):
    wid = lax.axis_index("s") * _NC + lax.axis_index("c")
    base = wid * _PER_W
    h_idx = pltpu.async_copy(x_hbm.at[pl.ds(base, _PER_W)], idx_v, sem)
    pltpu.sync_copy(w_hbm, tab_v)
    h_idx.wait()

    def group(g, _):
        idx16 = idx_v[pl.ds(g * 16, 16)]
        fbase = idx16 * _WIDTH
        for j in range(_WIDTH):
            vals = plsc.load_gather(tab_v, [fbase + j])
            buf = rxt_v if j < EMBED_DIM else rzt_v
            buf[j % EMBED_DIM, pl.ds(g * 16, 16)] = vals
        return 0

    lax.fori_loop(0, _PER_W // 16, group, 0)
    handles = []
    for j in range(EMBED_DIM):
        handles.append(pltpu.async_copy(rxt_v.at[j], outx_hbm.at[j, pl.ds(base, _PER_W)], sem))
        handles.append(pltpu.async_copy(rzt_v.at[j], outz_hbm.at[j, pl.ds(base, _PER_W)], sem))
    for h in handles:
        h.wait()


@functools.cache
def _node_gather():
    return pl.kernel(
        _node_gather_body,
        mesh=plsc.VectorSubcoreMesh(core_axis_name="c", subcore_axis_name="s"),
        compiler_params=pltpu.CompilerParams(needs_layout_passes=False),
        out_type=[
            jax.ShapeDtypeStruct((EMBED_DIM, _N_PAD), jnp.float32),
            jax.ShapeDtypeStruct((EMBED_DIM, _N_PAD), jnp.float32),
        ],
        scratch_types=[
            pltpu.VMEM((_PER_W,), jnp.int32),
            pltpu.VMEM((NUM_SPECIES * _WIDTH,), jnp.float32),
            pltpu.VMEM((EMBED_DIM, _PER_W), jnp.float32),
            pltpu.VMEM((EMBED_DIM, _PER_W), jnp.float32),
            pltpu.SemaphoreType.DMA,
        ],
    )



_EDGE_BLK = 12800


def _edge_body(e_ref, o_ref):
    e = e_ref[...]
    xr = e[0:1, :]
    yr = e[1:2, :]
    zr = e[2:3, :]
    r2 = xr * xr + yr * yr + zr * zr
    r = jnp.sqrt(r2)
    theta = r * (math.pi / CUTOFF)
    q = jnp.round(theta * (2.0 / math.pi))
    t = theta - q * (math.pi / 2.0)
    t2 = t * t
    st = t * (1.0 + t2 * (-1.0 / 6.0 + t2 * (1.0 / 120.0 + t2 * (-1.0 / 5040.0))))
    ct = 1.0 + t2 * (-0.5 + t2 * (1.0 / 24.0 + t2 * (-1.0 / 720.0 + t2 * (1.0 / 40320.0))))
    qm = jnp.bitwise_and(q.astype(jnp.int32), 3)
    bit0 = jnp.bitwise_and(qm, 1) == 1
    sin_sign = jnp.where(qm >= 2, -1.0, 1.0)
    cos_sign = jnp.where(jnp.logical_or(qm == 1, qm == 2), -1.0, 1.0)
    sin1 = sin_sign * jnp.where(bit0, ct, st)
    cos1 = cos_sign * jnp.where(bit0, st, ct)
    s1 = (math.sqrt(2.0 / CUTOFF) / r) * sin1
    c2x = 2.0 * cos1
    s_pp = jnp.zeros_like(s1)
    s_p = s1
    o_ref[pl.ds(0, 1), :] = s1
    for n in range(1, NUM_BASIS):
        s_n = c2x * s_p - s_pp
        o_ref[pl.ds(n, 1), :] = s_n
        s_pp, s_p = s_p, s_n


def _edge_call(edge_attr_t):
    grid = N_EDGES // _EDGE_BLK
    return pl.pallas_call(
        _edge_body,
        grid=(grid,),
        in_specs=[pl.BlockSpec((3, _EDGE_BLK), lambda i: (0, i))],
        out_specs=pl.BlockSpec((NUM_BASIS, _EDGE_BLK), lambda i: (0, i)),
        out_shape=jax.ShapeDtypeStruct((NUM_BASIS, N_EDGES), jnp.float32),
    )(edge_attr_t)


def kernel(x, edge_attr, W_x, W_z):
    w_flat = jnp.concatenate([W_x, W_z], axis=1).reshape(-1)
    x_pad = jnp.pad(x.astype(jnp.int32), (0, _N_PAD - N_NODES))
    fxt, fzt = _node_gather()(x_pad, w_flat)
    h_node_x = jnp.transpose(fxt)[:N_NODES]
    h_node_z = jnp.transpose(fzt)[:N_NODES]
    h_edge = jnp.transpose(_edge_call(jnp.transpose(edge_attr)))
    return (h_node_x, h_node_z, h_edge)

# --- scband reference (transcript-rebuilt; emitter-appended) ---
"""Pipeline reference for scband-initial-embedding-33646773797279 (READ-ONLY COPY).

The authoritative reference and input builder live on the scoring server;
editing this copy changes nothing except your own understanding.
"""

import jax, jax.numpy as jnp
import numpy as np

NUM_SPECIES = 100
EMBED_DIM = 8
NUM_BASIS = 16
CUTOFF = 5.0
N_NODES = 100000
N_EDGES = 1600000


def bessel(x, start=0.0, end=1.0, num_basis=8):
    # Bessel radial basis: sqrt(2/c) * sin(n*pi*x/c) / x, n = 1..num_basis
    c = end - start
    x = x[..., None] - start
    n = jnp.arange(1, num_basis + 1, dtype=x.dtype)
    return jnp.sqrt(2.0 / c) * jnp.sin(n * jnp.pi * x / c) / x


def setup_inputs(seed: int = 0) -> dict:
    key = jax.random.key(seed)
    k1, k2, k3, k4 = jax.random.split(key, 4)
    x = jax.random.randint(k1, (N_NODES,), 0, NUM_SPECIES)
    edge_attr = jax.random.normal(k2, (N_EDGES, 3), dtype=jnp.float32)
    W_x = jax.random.normal(k3, (NUM_SPECIES, EMBED_DIM), dtype=jnp.float32)
    W_z = jax.random.normal(k4, (NUM_SPECIES, EMBED_DIM), dtype=jnp.float32)
    return {"x": x, "edge_attr": edge_attr, "W_x": W_x, "W_z": W_z}


def reference(x, edge_attr, W_x, W_z):
    # data.h_node_x = self.embed_node_x(data.x)
    h_node_x = jnp.take(W_x, x, axis=0)
    # data.h_node_z = self.embed_node_z(data.x)
    h_node_z = jnp.take(W_z, x, axis=0)
    # data.h_edge = self.embed_edge(data.edge_attr.norm(dim=-1))
    r = jnp.linalg.norm(edge_attr, axis=-1)
    h_edge = bessel(r, start=0.0, end=CUTOFF, num_basis=NUM_BASIS)
    return (h_node_x, h_node_z, h_edge)

if __name__ == "__main__":
    import jax
    _d = setup_inputs()
    print(jax.jit(kernel)(*tuple(_d.values())))

</pallas_src>

<mosaic_0001>
#map = affine_map<(d0, d1) -> (0)>
#map1 = affine_map<(d0, d1) -> (0, 0)>
module attributes {stable_mosaic.version = 14 : i64} {
  func.func @_node_gather_body(%arg0: i32, %arg1: i32, %arg2: memref<102400xi32, #tpu.memory_space<hbm>>, %arg3: memref<1600xf32, #tpu.memory_space<hbm>>, %arg4: memref<8x102400xf32, #tpu.memory_space<hbm>>, %arg5: memref<8x102400xf32, #tpu.memory_space<hbm>>, %arg6: memref<3200xi32, #tpu.memory_space<vmem>>, %arg7: memref<1600xf32, #tpu.memory_space<vmem>>, %arg8: memref<8x3200xf32, #tpu.memory_space<vmem>>, %arg9: memref<8x3200xf32, #tpu.memory_space<vmem>>, %arg10: memref<!tpu.dma_semaphore, #tpu.memory_space<semaphore_mem>>) attributes {dimension_semantics = [#tpu.dimension_semantics<core_parallel>, #tpu.dimension_semantics<subcore_parallel>], iteration_bounds = array<i64: 2, 16>, scalar_prefetch = 0 : i64, scratch_operands = 5 : i64, tpu.core_type = #tpu.core_type<sc_vector_subcore>, window_params = [{transform_indices = #map}, {transform_indices = #map}, {transform_indices = #map1}, {transform_indices = #map1}]} {
    %mul3A = arith.constant 2 : i32
    %mul3A_0 = arith.muli %arg1, %mul3A : i32
    %add3A = arith.addi %mul3A_0, %arg0 : i32
    %mul3A_1 = arith.constant 3200 : i32
    %mul3A_2 = arith.muli %add3A, %mul3A_1 : i32
    %dma_start3A = tpu.memref_slice %arg2[%mul3A_2] : memref<102400xi32, #tpu.memory_space<hbm>> -> memref<3200xi32, #tpu.memory_space<hbm>>
    %dma_start3A_3 = tpu.memref_slice %arg2[%mul3A_2] : memref<102400xi32, #tpu.memory_space<hbm>> -> memref<3200xi32, #tpu.memory_space<hbm>>
    tpu.enqueue_dma source(%dma_start3A_3 : memref<3200xi32, #tpu.memory_space<hbm>>) target(%arg6 : memref<3200xi32, #tpu.memory_space<vmem>>) target_semaphore(%arg10 : memref<!tpu.dma_semaphore, #tpu.memory_space<semaphore_mem>>)
    "tpu.region"() ({
      %run_scoped3A = tpu.sem_alloc : memref<!tpu.dma_semaphore, #tpu.memory_space<semaphore_mem>>
      tpu.enqueue_dma source(%arg3 : memref<1600xf32, #tpu.memory_space<hbm>>) target(%arg7 : memref<1600xf32, #tpu.memory_space<vmem>>) target_semaphore(%run_scoped3A : memref<!tpu.dma_semaphore, #tpu.memory_space<semaphore_mem>>)
      tpu.wait_dma2 semaphore(%run_scoped3A : memref<!tpu.dma_semaphore, #tpu.memory_space<semaphore_mem>>) src(%arg3 : memref<1600xf32, #tpu.memory_space<hbm>>) dst(%arg7 : memref<1600xf32, #tpu.memory_space<vmem>>)
      tpu.yield
    }) : () -> ()
    %dma_wait3A = tpu.memref_slice %arg2[%mul3A_2] : memref<102400xi32, #tpu.memory_space<hbm>> -> memref<3200xi32, #tpu.memory_space<hbm>>
    %dma_wait3A_4 = tpu.memref_slice %arg2[%mul3A_2] : memref<102400xi32, #tpu.memory_space<hbm>> -> memref<3200xi32, #tpu.memory_space<hbm>>
    tpu.wait_dma2 semaphore(%arg10 : memref<!tpu.dma_semaphore, #tpu.memory_space<semaphore_mem>>) src(%dma_wait3A_4 : memref<3200xi32, #tpu.memory_space<hbm>>) dst(%arg6 : memref<3200xi32, #tpu.memory_space<vmem>>)
    %scan3A = arith.constant 0 : i32
    %scan3A_5 = arith.constant 0 : i32
    %scan3A_6 = arith.constant 200 : i32
    %scan3A_7 = arith.addi %scan3A_5, %scan3A_6 : i32
    %scan3A_8 = arith.constant 1 : i32
    %scan3A_9 = scf.for %scan3A_395 = %scan3A_5 to %scan3A_7 step %scan3A_8 iter_args(%scan3A_396 = %scan3A) -> (i32)  : i32 {
      %mul3A_397 = arith.constant 16 : i32
      %mul3A_398 = arith.muli %scan3A_395, %mul3A_397 : i32
      %get3A = arith.index_cast %mul3A_398 : i32 to index
      %get3A_399 = tpu.vector_load %arg6[%get3A] {strides = array<i32>} : memref<3200xi32, #tpu.memory_space<vmem>>, vector<16xi32>,
      %mul3A_400 = arith.constant 16 : i32
      %mul3A_401 = vector.broadcast %mul3A_400 : i32 to vector<16xi32>
      %mul3A_402 = arith.muli %get3A_399, %mul3A_401 : vector<16xi32>
      %add3A_403 = arith.constant 0 : i32
      %add3A_404 = vector.broadcast %add3A_403 : i32 to vector<16xi32>
      %add3A_405 = arith.addi %mul3A_402, %add3A_404 : vector<16xi32>
      %gather3A = tpu.vector_load_idx %arg7[%add3A_405] : memref<1600xf32, #tpu.memory_space<vmem>>[vector<16xi32>], vector<16xf32>,
      %mul3A_406 = arith.constant 16 : i32
      %mul3A_407 = arith.muli %scan3A_395, %mul3A_406 : i32
      %swap3A = arith.constant 0 : i32
      %swap3A_408 = arith.index_cast %swap3A : i32 to index
      %swap3A_409 = arith.index_cast %mul3A_407 : i32 to index
      %swap3A_410 = tpu.vector_load %arg8[%swap3A_408, %swap3A_409] {strides = array<i32>} : memref<8x3200xf32, #tpu.memory_space<vmem>>, vector<16xf32>,
      tpu.vector_store %arg8[%swap3A_408, %swap3A_409], %gather3A {strides = array<i32>} : memref<8x3200xf32, #tpu.memory_space<vmem>>, vector<16xf32>,
      %add3A_411 = arith.constant 1 : i32
      %add3A_412 = vector.broadcast %add3A_411 : i32 to vector<16xi32>
      %add3A_413 = arith.addi %mul3A_402, %add3A_412 : vector<16xi32>
      %gather3A_414 = tpu.vector_load_idx %arg7[%add3A_413] : memref<1600xf32, #tpu.memory_space<vmem>>[vector<16xi32>], vector<16xf32>,
      %mul3A_415 = arith.constant 16 : i32
      %mul3A_416 = arith.muli %scan3A_395, %mul3A_415 : i32
      %swap3A_417 = arith.constant 1 : i32
      %swap3A_418 = arith.index_cast %swap3A_417 : i32 to index
      %swap3A_419 = arith.index_cast %mul3A_416 : i32 to index
      %swap3A_420 = tpu.vector_load %arg8[%swap3A_418, %swap3A_419] {strides = array<i32>} : memref<8x3200xf32, #tpu.memory_space<vmem>>, vector<16xf32>,
      tpu.vector_store %arg8[%swap3A_418, %swap3A_419], %gather3A_414 {strides = array<i32>} : memref<8x3200xf32, #tpu.memory_space<vmem>>, vector<16xf32>,
      %add3A_421 = arith.constant 2 : i32
      %add3A_422 = vector.broadcast %add3A_421 : i32 to vector<16xi32>
      %add3A_423 = arith.addi %mul3A_402, %add3A_422 : vector<16xi32>
      %gather3A_424 = tpu.vector_load_idx %arg7[%add3A_423] : memref<1600xf32, #tpu.memory_space<vmem>>[vector<16xi32>], vector<16xf32>,
      %mul3A_425 = arith.constant 16 : i32
      %mul3A_426 = arith.muli %scan3A_395, %mul3A_425 : i32
      %swap3A_427 = arith.constant 2 : i32
      %swap3A_428 = arith.index_cast %swap3A_427 : i32 to index
      %swap3A_429 = arith.index_cast %mul3A_426 : i32 to index
      %swap3A_430 = tpu.vector_load %arg8[%swap3A_428, %swap3A_429] {strides = array<i32>} : memref<8x3200xf32, #tpu.memory_space<vmem>>, vector<16xf32>,
      tpu.vector_store %arg8[%swap3A_428, %swap3A_429], %gather3A_424 {strides = array<i32>} : memref<8x3200xf32, #tpu.memory_space<vmem>>, vector<16xf32>,
      %add3A_431 = arith.constant 3 : i32
      %add3A_432 = vector.broadcast %add3A_431 : i32 to vector<16xi32>
      %add3A_433 = arith.addi %mul3A_402, %add3A_432 : vector<16xi32>
      %gather3A_434 = tpu.vector_load_idx %arg7[%add3A_433] : memref<1600xf32, #tpu.memory_space<vmem>>[vector<16xi32>], vector<16xf32>,
      %mul3A_435 = arith.constant 16 : i32
      %mul3A_436 = arith.muli %scan3A_395, %mul3A_435 : i32
      %swap3A_437 = arith.constant 3 : i32
      %swap3A_438 = arith.index_cast %swap3A_437 : i32 to index
      %swap3A_439 = arith.index_cast %mul3A_436 : i32 to index
      %swap3A_440 = tpu.vector_load %arg8[%swap3A_438, %swap3A_439] {strides = array<i32>} : memref<8x3200xf32, #tpu.memory_space<vmem>>, vector<16xf32>,
      tpu.vector_store %arg8[%swap3A_438, %swap3A_439], %gather3A_434 {strides = array<i32>} : memref<8x3200xf32, #tpu.memory_space<vmem>>, vector<16xf32>,
      %add3A_441 = arith.constant 4 : i32
      %add3A_442 = vector.broadcast %add3A_441 : i32 to vector<16xi32>
      %add3A_443 = arith.addi %mul3A_402, %add3A_442 : vector<16xi32>
      %gather3A_444 = tpu.vector_load_idx %arg7[%add3A_443] : memref<1600xf32, #tpu.memory_space<vmem>>[vector<16xi32>], vector<16xf32>,
      %mul3A_445 = arith.constant 16 : i32
      %mul3A_446 = arith.muli %scan3A_395, %mul3A_445 : i32
      %swap3A_447 = arith.constant 4 : i32
      %swap3A_448 = arith.index_cast %swap3A_447 : i32 to index
      %swap3A_449 = arith.index_cast %mul3A_446 : i32 to index
      %swap3A_450 = tpu.vector_load %arg8[%swap3A_448, %swap3A_449] {strides = array<i32>} : memref<8x3200xf32, #tpu.memory_space<vmem>>, vector<16xf32>,
      tpu.vector_store %arg8[%swap3A_448, %swap3A_449], %gather3A_444 {strides = array<i32>} : memref<8x3200xf32, #tpu.memory_space<vmem>>, vector<16xf32>,
      %add3A_451 = arith.constant 5 : i32
      %add3A_452 = vector.broadcast %add3A_451 : i32 to vector<16xi32>
      %add3A_453 = arith.addi %mul3A_402, %add3A_452 : vector<16xi32>
      %gather3A_454 = tpu.vector_load_idx %arg7[%add3A_453] : memref<1600xf32, #tpu.memory_space<vmem>>[vector<16xi32>], vector<16xf32>,
      %mul3A_455 = arith.constant 16 : i32
      %mul3A_456 = arith.muli %scan3A_395, %mul3A_455 : i32
      %swap3A_457 = arith.constant 5 : i32
      %swap3A_458 = arith.index_cast %swap3A_457 : i32 to index
      %swap3A_459 = arith.index_cast %mul3A_456 : i32 to index
      %swap3A_460 = tpu.vector_load %arg8[%swap3A_458, %swap3A_459] {strides = array<i32>} : memref<8x3200xf32, #tpu.memory_space<vmem>>, vector<16xf32>,
      tpu.vector_store %arg8[%swap3A_458, %swap3A_459], %gather3A_454 {strides = array<i32>} : memref<8x3200xf32, #tpu.memory_space<vmem>>, vector<16xf32>,
      %add3A_461 = arith.constant 6 : i32
      %add3A_462 = vector.broadcast %add3A_461 : i32 to vector<16xi32>
      %add3A_463 = arith.addi %mul3A_402, %add3A_462 : vector<16xi32>
      %gather3A_464 = tpu.vector_load_idx %arg7[%add3A_463] : memref<1600xf32, #tpu.memory_space<vmem>>[vector<16xi32>], vector<16xf32>,
      %mul3A_465 = arith.constant 16 : i32
      %mul3A_466 = arith.muli %scan3A_395, %mul3A_465 : i32
      %swap3A_467 = arith.constant 6 : i32
      %swap3A_468 = arith.index_cast %swap3A_467 : i32 to index
      %swap3A_469 = arith.index_cast %mul3A_466 : i32 to index
      %swap3A_470 = tpu.vector_load %arg8[%swap3A_468, %swap3A_469] {strides = array<i32>} : memref<8x3200xf32, #tpu.memory_space<vmem>>, vector<16xf32>,
      tpu.vector_store %arg8[%swap3A_468, %swap3A_469], %gather3A_464 {strides = array<i32>} : memref<8x3200xf32, #tpu.memory_space<vmem>>, vector<16xf32>,
      %add3A_471 = arith.constant 7 : i32
      %add3A_472 = vector.broadcast %add3A_471 : i32 to vector<16xi32>
      %add3A_473 = arith.addi %mul3A_402, %add3A_472 : vector<16xi32>
      %gather3A_474 = tpu.vector_load_idx %arg7[%add3A_473] : memref<1600xf32, #tpu.memory_space<vmem>>[vector<16xi32>], vector<16xf32>,
      %mul3A_475 = arith.constant 16 : i32
      %mul3A_476 = arith.muli %scan3A_395, %mul3A_475 : i32
      %swap3A_477 = arith.constant 7 : i32
      %swap3A_478 = arith.index_cast %swap3A_477 : i32 to index
      %swap3A_479 = arith.index_cast %mul3A_476 : i32 to index
      %swap3A_480 = tpu.vector_load %arg8[%swap3A_478, %swap3A_479] {strides = array<i32>} : memref<8x3200xf32, #tpu.memory_space<vmem>>, vector<16xf32>,
      tpu.vector_store %arg8[%swap3A_478, %swap3A_479], %gather3A_474 {strides = array<i32>} : memref<8x3200xf32, #tpu.memory_space<vmem>>, vector<16xf32>,
      %add3A_481 = arith.constant 8 : i32
      %add3A_482 = vector.broadcast %add3A_481 : i32 to vector<16xi32>
      %add3A_483 = arith.addi %mul3A_402, %add3A_482 : vector<16xi32>
      %gather3A_484 = tpu.vector_load_idx %arg7[%add3A_483] : memref<1600xf32, #tpu.memory_space<vmem>>[vector<16xi32>], vector<16xf32>,
      %mul3A_485 = arith.constant 16 : i32
      %mul3A_486 = arith.muli %scan3A_395, %mul3A_485 : i32
      %swap3A_487 = arith.constant 0 : i32
      %swap3A_488 = arith.index_cast %swap3A_487 : i32 to index
      %swap3A_489 = arith.index_cast %mul3A_486 : i32 to index
      %swap3A_490 = tpu.vector_load %arg9[%swap3A_488, %swap3A_489] {strides = array<i32>} : memref<8x3200xf32, #tpu.memory_space<vmem>>, vector<16xf32>,
      tpu.vector_store %arg9[%swap3A_488, %swap3A_489], %gather3A_484 {strides = array<i32>} : memref<8x3200xf32, #tpu.memory_space<vmem>>, vector<16xf32>,
      %add3A_491 = arith.constant 9 : i32
      %add3A_492 = vector.broadcast %add3A_491 : i32 to vector<16xi32>
      %add3A_493 = arith.addi %mul3A_402, %add3A_492 : vector<16xi32>
      %gather3A_494 = tpu.vector_load_idx %arg7[%add3A_493] : memref<1600xf32, #tpu.memory_space<vmem>>[vector<16xi32>], vector<16xf32>,
      %mul3A_495 = arith.constant 16 : i32
      %mul3A_496 = arith.muli %scan3A_395, %mul3A_495 : i32
      %swap3A_497 = arith.constant 1 : i32
      %swap3A_498 = arith.index_cast %swap3A_497 : i32 to index
      %swap3A_499 = arith.index_cast %mul3A_496 : i32 to index
      %swap3A_500 = tpu.vector_load %arg9[%swap3A_498, %swap3A_499] {strides = array<i32>} : memref<8x3200xf32, #tpu.memory_space<vmem>>, vector<16xf32>,
      tpu.vector_store %arg9[%swap3A_498, %swap3A_499], %gather3A_494 {strides = array<i32>} : memref<8x3200xf32, #tpu.memory_space<vmem>>, vector<16xf32>,
      %add3A_501 = arith.constant 10 : i32
      %add3A_502 = vector.broadcast %add3A_501 : i32 to vector<16xi32>
      %add3A_503 = arith.addi %mul3A_402, %add3A_502 : vector<16xi32>
      %gather3A_504 = tpu.vector_load_idx %arg7[%add3A_503] : memref<1600xf32, #tpu.memory_space<vmem>>[vector<16xi32>], vector<16xf32>,
      %mul3A_505 = arith.constant 16 : i32
      %mul3A_506 = arith.muli %scan3A_395, %mul3A_505 : i32
      %swap3A_507 = arith.constant 2 : i32
      %swap3A_508 = arith.index_cast %swap3A_507 : i32 to index
      %swap3A_509 = arith.index_cast %mul3A_506 : i32 to index
      %swap3A_510 = tpu.vector_load %arg9[%swap3A_508, %swap3A_509] {strides = array<i32>} : memref<8x3200xf32, #tpu.memory_space<vmem>>, vector<16xf32>,
      tpu.vector_store %arg9[%swap3A_508, %swap3A_509], %gather3A_504 {strides = array<i32>} : memref<8x3200xf32, #tpu.memory_space<vmem>>, vector<16xf32>,
      %add3A_511 = arith.constant 11 : i32
      %add3A_512 = vector.broadcast %add3A_511 : i32 to vector<16xi32>
      %add3A_513 = arith.addi %mul3A_402, %add3A_512 : vector<16xi32>
      %gather3A_514 = tpu.vector_load_idx %arg7[%add3A_513] : memref<1600xf32, #tpu.memory_space<vmem>>[vector<16xi32>], vector<16xf32>,
      %mul3A_515 = arith.constant 16 : i32
      %mul3A_516 = arith.muli %scan3A_395, %mul3A_515 : i32
      %swap3A_517 = arith.constant 3 : i32
      %swap3A_518 = arith.index_cast %swap3A_517 : i32 to index
      %swap3A_519 = arith.index_cast %mul3A_516 : i32 to index
      %swap3A_520 = tpu.vector_load %arg9[%swap3A_518, %swap3A_519] {strides = array<i32>} : memref<8x3200xf32, #tpu.memory_space<vmem>>, vector<16xf32>,
      tpu.vector_store %arg9[%swap3A_518, %swap3A_519], %gather3A_514 {strides = array<i32>} : memref<8x3200xf32, #tpu.memory_space<vmem>>, vector<16xf32>,
      %add3A_521 = arith.constant 12 : i32
      %add3A_522 = vector.broadcast %add3A_521 : i32 to vector<16xi32>
      %add3A_523 = arith.addi %mul3A_402, %add3A_522 : vector<16xi32>
      %gather3A_524 = tpu.vector_load_idx %arg7[%add3A_523] : memref<1600xf32, #tpu.memory_space<vmem>>[vector<16xi32>], vector<16xf32>,
      %mul3A_525 = arith.constant 16 : i32
      %mul3A_526 = arith.muli %scan3A_395, %mul3A_525 : i32
      %swap3A_527 = arith.constant 4 : i32
      %swap3A_528 = arith.index_cast %swap3A_527 : i32 to index
      %swap3A_529 = arith.index_cast %mul3A_526 : i32 to index
      %swap3A_530 = tpu.vector_load %arg9[%swap3A_528, %swap3A_529] {strides = array<i32>} : memref<8x3200xf32, #tpu.memory_space<vmem>>, vector<16xf32>,
      tpu.vector_store %arg9[%swap3A_528, %swap3A_529], %gather3A_524 {strides = array<i32>} : memref<8x3200xf32, #tpu.memory_space<vmem>>, vector<16xf32>,
      %add3A_531 = arith.constant 13 : i32
      %add3A_532 = vector.broadcast %add3A_531 : i32 to vector<16xi32>
      %add3A_533 = arith.addi %mul3A_402, %add3A_532 : vector<16xi32>
      %gather3A_534 = tpu.vector_load_idx %arg7[%add3A_533] : memref<1600xf32, #tpu.memory_space<vmem>>[vector<16xi32>], vector<16xf32>,
      %mul3A_535 = arith.constant 16 : i32
      %mul3A_536 = arith.muli %scan3A_395, %mul3A_535 : i32
      %swap3A_537 = arith.constant 5 : i32
      %swap3A_538 = arith.index_cast %swap3A_537 : i32 to index
      %swap3A_539 = arith.index_cast %mul3A_536 : i32 to index
      %swap3A_540 = tpu.vector_load %arg9[%swap3A_538, %swap3A_539] {strides = array<i32>} : memref<8x3200xf32, #tpu.memory_space<vmem>>, vector<16xf32>,
      tpu.vector_store %arg9[%swap3A_538, %swap3A_539], %gather3A_534 {strides = array<i32>} : memref<8x3200xf32, #tpu.memory_space<vmem>>, vector<16xf32>,
      %add3A_541 = arith.constant 14 : i32
      %add3A_542 = vector.broadcast %add3A_541 : i32 to vector<16xi32>
      %add3A_543 = arith.addi %mul3A_402, %add3A_542 : vector<16xi32>
      %gather3A_544 = tpu.vector_load_idx %arg7[%add3A_543] : memref<1600xf32, #tpu.memory_space<vmem>>[vector<16xi32>], vector<16xf32>,
      %mul3A_545 = arith.constant 16 : i32
      %mul3A_546 = arith.muli %scan3A_395, %mul3A_545 : i32
      %swap3A_547 = arith.constant 6 : i32
      %swap3A_548 = arith.index_cast %swap3A_547 : i32 to index
      %swap3A_549 = arith.index_cast %mul3A_546 : i32 to index
      %swap3A_550 = tpu.vector_load %arg9[%swap3A_548, %swap3A_549] {strides = array<i32>} : memref<8x3200xf32, #tpu.memory_space<vmem>>, vector<16xf32>,
      tpu.vector_store %arg9[%swap3A_548, %swap3A_549], %gather3A_544 {strides = array<i32>} : memref<8x3200xf32, #tpu.memory_space<vmem>>, vector<16xf32>,
      %add3A_551 = arith.constant 15 : i32
      %add3A_552 = vector.broadcast %add3A_551 : i32 to vector<16xi32>
      %add3A_553 = arith.addi %mul3A_402, %add3A_552 : vector<16xi32>
      %gather3A_554 = tpu.vector_load_idx %arg7[%add3A_553] : memref<1600xf32, #tpu.memory_space<vmem>>[vector<16xi32>], vector<16xf32>,
      %mul3A_555 = arith.constant 16 : i32
      %mul3A_556 = arith.muli %scan3A_395, %mul3A_555 : i32
      %swap3A_557 = arith.constant 7 : i32
      %swap3A_558 = arith.index_cast %swap3A_557 : i32 to index
      %swap3A_559 = arith.index_cast %mul3A_556 : i32 to index
      %swap3A_560 = tpu.vector_load %arg9[%swap3A_558, %swap3A_559] {strides = array<i32>} : memref<8x3200xf32, #tpu.memory_space<vmem>>, vector<16xf32>,
      tpu.vector_store %arg9[%swap3A_558, %swap3A_559], %gather3A_554 {strides = array<i32>} : memref<8x3200xf32, #tpu.memory_space<vmem>>, vector<16xf32>,
      %scan3A_561 = arith.constant 0 : i32
      scf.yield %scan3A_561 : i32
    }
    %scan3A_10 = arith.constant 200 : i32
    %dma_start3A_11 = arith.constant 0 : i32
    %dma_start3A_12 = arith.constant 0 : i32
    %dma_start3A_13 = arith.constant 0 : i32
    %dma_start3A_14 = tpu.memref_slice %arg8[%dma_start3A_11, %dma_start3A_13] : memref<8x3200xf32, #tpu.memory_space<vmem>> -> memref<1x3200xf32, #tpu.memory_space<vmem>>
    %dma_start3A_15 = tpu.memref_squeeze %dma_start3A_14 : memref<1x3200xf32, #tpu.memory_space<vmem>> -> memref<3200xf32, #tpu.memory_space<vmem>>
    %dma_start3A_16 = tpu.memref_slice %arg4[%dma_start3A_12, %mul3A_2] : memref<8x102400xf32, #tpu.memory_space<hbm>> -> memref<1x3200xf32, #tpu.memory_space<hbm>>
    %dma_start3A_17 = tpu.memref_squeeze %dma_start3A_16 : memref<1x3200xf32, #tpu.memory_space<hbm>> -> memref<3200xf32, #tpu.memory_space<hbm>>
    %dma_start3A_18 = tpu.memref_slice %arg4[%dma_start3A_12, %mul3A_2] : memref<8x102400xf32, #tpu.memory_space<hbm>> -> memref<1x3200xf32, #tpu.memory_space<hbm>>
    %dma_start3A_19 = tpu.memref_squeeze %dma_start3A_18 : memref<1x3200xf32, #tpu.memory_space<hbm>> -> memref<3200xf32, #tpu.memory_space<hbm>>
    %dma_start3A_20 = arith.constant 0 : i32
    %dma_start3A_21 = tpu.memref_slice %arg8[%dma_start3A_11, %dma_start3A_20] : memref<8x3200xf32, #tpu.memory_space<vmem>> -> memref<1x3200xf32, #tpu.memory_space<vmem>>
    %dma_start3A_22 = tpu.memref_squeeze %dma_start3A_21 : memref<1x3200xf32, #tpu.memory_space<vmem>> -> memref<3200xf32, #tpu.memory_space<vmem>>
    tpu.enqueue_dma source(%dma_start3A_22 : memref<3200xf32, #tpu.memory_space<vmem>>) target(%dma_start3A_19 : memref<3200xf32, #tpu.memory_space<hbm>>) target_semaphore(%arg10 : memref<!tpu.dma_semaphore, #tpu.memory_space<semaphore_mem>>)
    %dma_start3A_23 = arith.constant 0 : i32
    %dma_start3A_24 = arith.constant 0 : i32
    %dma_start3A_25 = arith.constant 0 : i32
    %dma_start3A_26 = tpu.memref_slice %arg9[%dma_start3A_23, %dma_start3A_25] : memref<8x3200xf32, #tpu.memory_space<vmem>> -> memref<1x3200xf32, #tpu.memory_space<vmem>>
    %dma_start3A_27 = tpu.memref_squeeze %dma_start3A_26 : memref<1x3200xf32, #tpu.memory_space<vmem>> -> memref<3200xf32, #tpu.memory_space<vmem>>
    %dma_start3A_28 = tpu.memref_slice %arg5[%dma_start3A_24, %mul3A_2] : memref<8x102400xf32, #tpu.memory_space<hbm>> -> memref<1x3200xf32, #tpu.memory_space<hbm>>
    %dma_start3A_29 = tpu.memref_squeeze %dma_start3A_28 : memref<1x3200xf32, #tpu.memory_space<hbm>> -> memref<3200xf32, #tpu.memory_space<hbm>>
    %dma_start3A_30 = tpu.memref_slice %arg5[%dma_start3A_24, %mul3A_2] : memref<8x102400xf32, #tpu.memory_space<hbm>> -> memref<1x3200xf32, #tpu.memory_space<hbm>>
    %dma_start3A_31 = tpu.memref_squeeze %dma_start3A_30 : memref<1x3200xf32, #tpu.memory_space<hbm>> -> memref<3200xf32, #tpu.memory_space<hbm>>
    %dma_start3A_32 = arith.constant 0 : i32
    %dma_start3A_33 = tpu.memref_slice %arg9[%dma_start3A_23, %dma_start3A_32] : memref<8x3200xf32, #tpu.memory_space<vmem>> -> memref<1x3200xf32, #tpu.memory_space<vmem>>
    %dma_start3A_34 = tpu.memref_squeeze %dma_start3A_33 : memref<1x3200xf32, #tpu.memory_space<vmem>> -> memref<3200xf32, #tpu.memory_space<vmem>>
    tpu.enqueue_dma source(%dma_start3A_34 : memref<3200xf32, #tpu.memory_space<vmem>>) target(%dma_start3A_31 : memref<3200xf32, #tpu.memory_space<hbm>>) target_semaphore(%arg10 : memref<!tpu.dma_semaphore, #tpu.memory_space<semaphore_mem>>)
    %dma_start3A_35 = arith.constant 1 : i32
    %dma_start3A_36 = arith.constant 1 : i32
    %dma_start3A_37 = arith.constant 0 : i32
    %dma_start3A_38 = tpu.memref_slice %arg8[%dma_start3A_35, %dma_start3A_37] : memref<8x3200xf32, #tpu.memory_space<vmem>> -> memref<1x3200xf32, #tpu.memory_space<vmem>>
    %dma_start3A_39 = tpu.memref_squeeze %dma_start3A_38 : memref<1x3200xf32, #tpu.memory_space<vmem>> -> memref<3200xf32, #tpu.memory_space<vmem>>
    %dma_start3A_40 = tpu.memref_slice %arg4[%dma_start3A_36, %mul3A_2] : memref<8x102400xf32, #tpu.memory_space<hbm>> -> memref<1x3200xf32, #tpu.memory_space<hbm>>
    %dma_start3A_41 = tpu.memref_squeeze %dma_start3A_40 : memref<1x3200xf32, #tpu.memory_space<hbm>> -> memref<3200xf32, #tpu.memory_space<hbm>>
    %dma_start3A_42 = tpu.memref_slice %arg4[%dma_start3A_36, %mul3A_2] : memref<8x102400xf32, #tpu.memory_space<hbm>> -> memref<1x3200xf32, #tpu.memory_space<hbm>>
    %dma_start3A_43 = tpu.memref_squeeze %dma_start3A_42 : memref<1x3200xf32, #tpu.memory_space<hbm>> -> memref<3200xf32, #tpu.memory_space<hbm>>
    %dma_start3A_44 = arith.constant 0 : i32
    %dma_start3A_45 = tpu.memref_slice %arg8[%dma_start3A_35, %dma_start3A_44] : memref<8x3200xf32, #tpu.memory_space<vmem>> -> memref<1x3200xf32, #tpu.memory_space<vmem>>
    %dma_start3A_46 = tpu.memref_squeeze %dma_start3A_45 : memref<1x3200xf32, #tpu.memory_space<vmem>> -> memref<3200xf32, #tpu.memory_space<vmem>>
    tpu.enqueue_dma source(%dma_start3A_46 : memref<3200xf32, #tpu.memory_space<vmem>>) target(%dma_start3A_43 : memref<3200xf32, #tpu.memory_space<hbm>>) target_semaphore(%arg10 : memref<!tpu.dma_semaphore, #tpu.memory_space<semaphore_mem>>)
    %dma_start3A_47 = arith.constant 1 : i32
    %dma_start3A_48 = arith.constant 1 : i32
    %dma_start3A_49 = arith.constant 0 : i32
    %dma_start3A_50 = tpu.memref_slice %arg9[%dma_start3A_47, %dma_start3A_49] : memref<8x3200xf32, #tpu.memory_space<vmem>> -> memref<1x3200xf32, #tpu.memory_space<vmem>>
    %dma_start3A_51 = tpu.memref_squeeze %dma_start3A_50 : memref<1x3200xf32, #tpu.memory_space<vmem>> -> memref<3200xf32, #tpu.memory_space<vmem>>
    %dma_start3A_52 = tpu.memref_slice %arg5[%dma_start3A_48, %mul3A_2] : memref<8x102400xf32, #tpu.memory_space<hbm>> -> memref<1x3200xf32, #tpu.memory_space<hbm>>
    %dma_start3A_53 = tpu.memref_squeeze %dma_start3A_52 : memref<1x3200xf32, #tpu.memory_space<hbm>> -> memref<3200xf32, #tpu.memory_space<hbm>>
    %dma_start3A_54 = tpu.memref_slice %arg5[%dma_start3A_48, %mul3A_2] : memref<8x102400xf32, #tpu.memory_space<hbm>> -> memref<1x3200xf32, #tpu.memory_space<hbm>>
    %dma_start3A_55 = tpu.memref_squeeze %dma_start3A_54 : memref<1x3200xf32, #tpu.memory_space<hbm>> -> memref<3200xf32, #tpu.memory_space<hbm>>
    %dma_start3A_56 = arith.constant 0 : i32
    %dma_start3A_57 = tpu.memref_slice %arg9[%dma_start3A_47, %dma_start3A_56] : memref<8x3200xf32, #tpu.memory_space<vmem>> -> memref<1x3200xf32, #tpu.memory_space<vmem>>
    %dma_start3A_58 = tpu.memref_squeeze %dma_start3A_57 : memref<1x3200xf32, #tpu.memory_space<vmem>> -> memref<3200xf32, #tpu.memory_space<vmem>>
    tpu.enqueue_dma source(%dma_start3A_58 : memref<3200xf32, #tpu.memory_space<vmem>>) target(%dma_start3A_55 : memref<3200xf32, #tpu.memory_space<hbm>>) target_semaphore(%arg10 : memref<!tpu.dma_semaphore, #tpu.memory_space<semaphore_mem>>)
    %dma_start3A_59 = arith.constant 2 : i32
    %dma_start3A_60 = arith.constant 2 : i32
    %dma_start3A_61 = arith.constant 0 : i32
    %dma_start3A_62 = tpu.memref_slice %arg8[%dma_start3A_59, %dma_start3A_61] : memref<8x3200xf32, #tpu.memory_space<vmem>> -> memref<1x3200xf32, #tpu.memory_space<vmem>>
    %dma_start3A_63 = tpu.memref_squeeze %dma_start3A_62 : memref<1x3200xf32, #tpu.memory_space<vmem>> -> memref<3200xf32, #tpu.memory_space<vmem>>
    %dma_start3A_64 = tpu.memref_slice %arg4[%dma_start3A_60, %mul3A_2] : memref<8x102400xf32, #tpu.memory_space<hbm>> -> memref<1x3200xf32, #tpu.memory_space<hbm>>
    %dma_start3A_65 = tpu.memref_squeeze %dma_start3A_64 : memref<1x3200xf32, #tpu.memory_space<hbm>> -> memref<3200xf32, #tpu.memory_space<hbm>>
    %dma_start3A_66 = tpu.memref_slice %arg4[%dma_start3A_60, %mul3A_2] : memref<8x102400xf32, #tpu.memory_space<hbm>> -> memref<1x3200xf32, #tpu.memory_space<hbm>>
    %dma_start3A_67 = tpu.memref_squeeze %dma_start3A_66 : memref<1x3200xf32, #tpu.memory_space<hbm>> -> memref<3200xf32, #tpu.memory_space<hbm>>
    %dma_start3A_68 = arith.constant 0 : i32
    %dma_start3A_69 = tpu.memref_slice %arg8[%dma_start3A_59, %dma_start3A_68] : memref<8x3200xf32, #tpu.memory_space<vmem>> -> memref<1x3200xf32, #tpu.memory_space<vmem>>
    %dma_start3A_70 = tpu.memref_squeeze %dma_start3A_69 : memref<1x3200xf32, #tpu.memory_space<vmem>> -> memref<3200xf32, #tpu.memory_space<vmem>>
    tpu.enqueue_dma source(%dma_start3A_70 : memref<3200xf32, #tpu.memory_space<vmem>>) target(%dma_start3A_67 : memref<3200xf32, #tpu.memory_space<hbm>>) target_semaphore(%arg10 : memref<!tpu.dma_semaphore, #tpu.memory_space<semaphore_mem>>)
    %dma_start3A_71 = arith.constant 2 : i32
    %dma_start3A_72 = arith.constant 2 : i32
    %dma_start3A_73 = arith.constant 0 : i32
    %dma_start3A_74 = tpu.memref_slice %arg9[%dma_start3A_71, %dma_start3A_73] : memref<8x3200xf32, #tpu.memory_space<vmem>> -> memref<1x3200xf32, #tpu.memory_space<vmem>>
    %dma_start3A_75 = tpu.memref_squeeze %dma_start3A_74 : memref<1x3200xf32, #tpu.memory_space<vmem>> -> memref<3200xf32, #tpu.memory_space<vmem>>
    %dma_start3A_76 = tpu.memref_slice %arg5[%dma_start3A_72, %mul3A_2] : memref<8x102400xf32, #tpu.memory_space<hbm>> -> memref<1x3200xf32, #tpu.memory_space<hbm>>
    %dma_start3A_77 = tpu.memref_squeeze %dma_start3A_76 : memref<1x3200xf32, #tpu.memory_space<hbm>> -> memref<3200xf32, #tpu.memory_space<hbm>>
    %dma_start3A_78 = tpu.memref_slice %arg5[%dma_start3A_72, %mul3A_2] : memref<8x102400xf32, #tpu.memory_space<hbm>> -> memref<1x3200xf32, #tpu.memory_space<hbm>>
    %dma_start3A_79 = tpu.memref_squeeze %dma_start3A_78 : memref<1x3200xf32, #tpu.memory_space<hbm>> -> memref<3200xf32, #tpu.memory_space<hbm>>
    %dma_start3A_80 = arith.constant 0 : i32
    %dma_start3A_81 = tpu.memref_slice %arg9[%dma_start3A_71, %dma_start3A_80] : memref<8x3200xf32, #tpu.memory_space<vmem>> -> memref<1x3200xf32, #tpu.memory_space<vmem>>
    %dma_start3A_82 = tpu.memref_squeeze %dma_start3A_81 : memref<1x3200xf32, #tpu.memory_space<vmem>> -> memref<3200xf32, #tpu.memory_space<vmem>>
    tpu.enqueue_dma source(%dma_start3A_82 : memref<3200xf32, #tpu.memory_space<vmem>>) target(%dma_start3A_79 : memref<3200xf32, #tpu.memory_space<hbm>>) target_semaphore(%arg10 : memref<!tpu.dma_semaphore, #tpu.memory_space<semaphore_mem>>)
    %dma_start3A_83 = arith.constant 3 : i32
    %dma_start3A_84 = arith.constant 3 : i32
    %dma_start3A_85 = arith.constant 0 : i32
    %dma_start3A_86 = tpu.memref_slice %arg8[%dma_start3A_83, %dma_start3A_85] : memref<8x3200xf32, #tpu.memory_space<vmem>> -> memref<1x3200xf32, #tpu.memory_space<vmem>>
    %dma_start3A_87 = tpu.memref_squeeze %dma_start3A_86 : memref<1x3200xf32, #tpu.memory_space<vmem>> -> memref<3200xf32, #tpu.memory_space<vmem>>
    %dma_start3A_88 = tpu.memref_slice %arg4[%dma_start3A_84, %mul3A_2] : memref<8x102400xf32, #tpu.memory_space<hbm>> -> memref<1x3200xf32, #tpu.memory_space<hbm>>
    %dma_start3A_89 = tpu.memref_squeeze %dma_start3A_88 : memref<1x3200xf32, #tpu.memory_space<hbm>> -> memref<3200xf32, #tpu.memory_space<hbm>>
    %dma_start3A_90 = tpu.memref_slice %arg4[%dma_start3A_84, %mul3A_2] : memref<8x102400xf32, #tpu.memory_space<hbm>> -> memref<1x3200xf32, #tpu.memory_space<hbm>>
    %dma_start3A_91 = tpu.memref_squeeze %dma_start3A_90 : memref<1x3200xf32, #tpu.memory_space<hbm>> -> memref<3200xf32, #tpu.memory_space<hbm>>
    %dma_start3A_92 = arith.constant 0 : i32
    %dma_start3A_93 = tpu.memref_slice %arg8[%dma_start3A_83, %dma_start3A_92] : memref<8x3200xf32, #tpu.memory_space<vmem>> -> memref<1x3200xf32, #tpu.memory_space<vmem>>
    %dma_start3A_94 = tpu.memref_squeeze %dma_start3A_93 : memref<1x3200xf32, #tpu.memory_space<vmem>> -> memref<3200xf32, #tpu.memory_space<vmem>>
    tpu.enqueue_dma source(%dma_start3A_94 : memref<3200xf32, #tpu.memory_space<vmem>>) target(%dma_start3A_91 : memref<3200xf32, #tpu.memory_space<hbm>>) target_semaphore(%arg10 : memref<!tpu.dma_semaphore, #tpu.memory_space<semaphore_mem>>)
    %dma_start3A_95 = arith.constant 3 : i32
    %dma_start3A_96 = arith.constant 3 : i32
    %dma_start3A_97 = arith.constant 0 : i32
    %dma_start3A_98 = tpu.memref_slice %arg9[%dma_start3A_95, %dma_start3A_97] : memref<8x3200xf32, #tpu.memory_space<vmem>> -> memref<1x3200xf32, #tpu.memory_space<vmem>>
    %dma_start3A_99 = tpu.memref_squeeze %dma_start3A_98 : memref<1x3200xf32, #tpu.memory_space<vmem>> -> memref<3200xf32, #tpu.memory_space<vmem>>
    %dma_start3A_100 = tpu.memref_slice %arg5[%dma_start3A_96, %mul3A_2] : memref<8x102400xf32, #tpu.memory_space<hbm>> -> memref<1x3200xf32, #tpu.memory_space<hbm>>
    %dma_start3A_101 = tpu.memref_squeeze %dma_start3A_100 : memref<1x3200xf32, #tpu.memory_space<hbm>> -> memref<3200xf32, #tpu.memory_space<hbm>>
    %dma_start3A_102 = tpu.memref_slice %arg5[%dma_start3A_96, %mul3A_2] : memref<8x102400xf32, #tpu.memory_space<hbm>> -> memref<1x3200xf32, #tpu.memory_space<hbm>>
    %dma_start3A_103 = tpu.memref_squeeze %dma_start3A_102 : memref<1x3200xf32, #tpu.memory_space<hbm>> -> memref<3200xf32, #tpu.memory_space<hbm>>
    %dma_start3A_104 = arith.constant 0 : i32
    %dma_start3A_105 = tpu.memref_slice %arg9[%dma_start3A_95, %dma_start3A_104] : memref<8x3200xf32, #tpu.memory_space<vmem>> -> memref<1x3200xf32, #tpu.memory_space<vmem>>
    %dma_start3A_106 = tpu.memref_squeeze %dma_start3A_105 : memref<1x3200xf32, #tpu.memory_space<vmem>> -> memref<3200xf32, #tpu.memory_space<vmem>>
    tpu.enqueue_dma source(%dma_start3A_106 : memref<3200xf32, #tpu.memory_space<vmem>>) target(%dma_start3A_103 : memref<3200xf32, #tpu.memory_space<hbm>>) target_semaphore(%arg10 : memref<!tpu.dma_semaphore, #tpu.memory_space<semaphore_mem>>)
    %dma_start3A_107 = arith.constant 4 : i32
    %dma_start3A_108 = arith.constant 4 : i32
    %dma_start3A_109 = arith.constant 0 : i32
    %dma_start3A_110 = tpu.memref_slice %arg8[%dma_start3A_107, %dma_start3A_109] : memref<8x3200xf32, #tpu.memory_space<vmem>> -> memref<1x3200xf32, #tpu.memory_space<vmem>>
    %dma_start3A_111 = tpu.memref_squeeze %dma_start3A_110 : memref<1x3200xf32, #tpu.memory_space<vmem>> -> memref<3200xf32, #tpu.memory_space<vmem>>
    %dma_start3A_112 = tpu.memref_slice %arg4[%dma_start3A_108, %mul3A_2] : memref<8x102400xf32, #tpu.memory_space<hbm>> -> memref<1x3200xf32, #tpu.memory_space<hbm>>
    %dma_start3A_113 = tpu.memref_squeeze %dma_start3A_112 : memref<1x3200xf32, #tpu.memory_space<hbm>> -> memref<3200xf32, #tpu.memory_space<hbm>>
    %dma_start3A_114 = tpu.memref_slice %arg4[%dma_start3A_108, %mul3A_2] : memref<8x102400xf32, #tpu.memory_space<hbm>> -> memref<1x3200xf32, #tpu.memory_space<hbm>>
    %dma_start3A_115 = tpu.memref_squeeze %dma_start3A_114 : memref<1x3200xf32, #tpu.memory_space<hbm>> -> memref<3200xf32, #tpu.memory_space<hbm>>
    %dma_start3A_116 = arith.constant 0 : i32
    %dma_start3A_117 = tpu.memref_slice %arg8[%dma_start3A_107, %dma_start3A_116] : memref<8x3200xf32, #tpu.memory_space<vmem>> -> memref<1x3200xf32, #tpu.memory_space<vmem>>
    %dma_start3A_118 = tpu.memref_squeeze %dma_start3A_117 : memref<1x3200xf32, #tpu.memory_space<vmem>> -> memref<3200xf32, #tpu.memory_space<vmem>>
    tpu.enqueue_dma source(%dma_start3A_118 : memref<3200xf32, #tpu.memory_space<vmem>>) target(%dma_start3A_115 : memref<3200xf32, #tpu.memory_space<hbm>>) target_semaphore(%arg10 : memref<!tpu.dma_semaphore, #tpu.memory_space<semaphore_mem>>)
    %dma_start3A_119 = arith.constant 4 : i32
    %dma_start3A_120 = arith.constant 4 : i32
    %dma_start3A_121 = arith.constant 0 : i32
    %dma_start3A_122 = tpu.memref_slice %arg9[%dma_start3A_119, %dma_start3A_121] : memref<8x3200xf32, #tpu.memory_space<vmem>> -> memref<1x3200xf32, #tpu.memory_space<vmem>>
    %dma_start3A_123 = tpu.memref_squeeze %dma_start3A_122 : memref<1x3200xf32, #tpu.memory_space<vmem>> -> memref<3200xf32, #tpu.memory_space<vmem>>
    %dma_start3A_124 = tpu.memref_slice %arg5[%dma_start3A_120, %mul3A_2] : memref<8x102400xf32, #tpu.memory_space<hbm>> -> memref<1x3200xf32, #tpu.memory_space<hbm>>
    %dma_start3A_125 = tpu.memref_squeeze %dma_start3A_124 : memref<1x3200xf32, #tpu.memory_space<hbm>> -> memref<3200xf32, #tpu.memory_space<hbm>>
    %dma_start3A_126 = tpu.memref_slice %arg5[%dma_start3A_120, %mul3A_2] : memref<8x102400xf32, #tpu.memory_space<hbm>> -> memref<1x3200xf32, #tpu.memory_space<hbm>>
    %dma_start3A_127 = tpu.memref_squeeze %dma_start3A_126 : memref<1x3200xf32, #tpu.memory_space<hbm>> -> memref<3200xf32, #tpu.memory_space<hbm>>
    %dma_start3A_128 = arith.constant 0 : i32
    %dma_start3A_129 = tpu.memref_slice %arg9[%dma_start3A_119, %dma_start3A_128] : memref<8x3200xf32, #tpu.memory_space<vmem>> -> memref<1x3200xf32, #tpu.memory_space<vmem>>
    %dma_start3A_130 = tpu.memref_squeeze %dma_start3A_129 : memref<1x3200xf32, #tpu.memory_space<vmem>> -> memref<3200xf32, #tpu.memory_space<vmem>>
    tpu.enqueue_dma source(%dma_start3A_130 : memref<3200xf32, #tpu.memory_space<vmem>>) target(%dma_start3A_127 : memref<3200xf32, #tpu.memory_space<hbm>>) target_semaphore(%arg10 : memref<!tpu.dma_semaphore, #tpu.memory_space<semaphore_mem>>)
    %dma_start3A_131 = arith.constant 5 : i32
    %dma_start3A_132 = arith.constant 5 : i32
    %dma_start3A_133 = arith.constant 0 : i32
    %dma_start3A_134 = tpu.memref_slice %arg8[%dma_start3A_131, %dma_start3A_133] : memref<8x3200xf32, #tpu.memory_space<vmem>> -> memref<1x3200xf32, #tpu.memory_space<vmem>>
    %dma_start3A_135 = tpu.memref_squeeze %dma_start3A_134 : memref<1x3200xf32, #tpu.memory_space<vmem>> -> memref<3200xf32, #tpu.memory_space<vmem>>
    %dma_start3A_136 = tpu.memref_slice %arg4[%dma_start3A_132, %mul3A_2] : memref<8x102400xf32, #tpu.memory_space<hbm>> -> memref<1x3200xf32, #tpu.memory_space<hbm>>
    %dma_start3A_137 = tpu.memref_squeeze %dma_start3A_136 : memref<1x3200xf32, #tpu.memory_space<hbm>> -> memref<3200xf32, #tpu.memory_space<hbm>>
    %dma_start3A_138 = tpu.memref_slice %arg4[%dma_start3A_132, %mul3A_2] : memref<8x102400xf32, #tpu.memory_space<hbm>> -> memref<1x3200xf32, #tpu.memory_space<hbm>>
    %dma_start3A_139 = tpu.memref_squeeze %dma_start3A_138 : memref<1x3200xf32, #tpu.memory_space<hbm>> -> memref<3200xf32, #tpu.memory_space<hbm>>
    %dma_start3A_140 = arith.constant 0 : i32
    %dma_start3A_141 = tpu.memref_slice %arg8[%dma_start3A_131, %dma_start3A_140] : memref<8x3200xf32, #tpu.memory_space<vmem>> -> memref<1x3200xf32, #tpu.memory_space<vmem>>
    %dma_start3A_142 = tpu.memref_squeeze %dma_start3A_141 : memref<1x3200xf32, #tpu.memory_space<vmem>> -> memref<3200xf32, #tpu.memory_space<vmem>>
    tpu.enqueue_dma source(%dma_start3A_142 : memref<3200xf32, #tpu.memory_space<vmem>>) target(%dma_start3A_139 : memref<3200xf32, #tpu.memory_space<hbm>>) target_semaphore(%arg10 : memref<!tpu.dma_semaphore, #tpu.memory_space<semaphore_mem>>)
    %dma_start3A_143 = arith.constant 5 : i32
    %dma_start3A_144 = arith.constant 5 : i32
    %dma_start3A_145 = arith.constant 0 : i32
    %dma_start3A_146 = tpu.memref_slice %arg9[%dma_start3A_143, %dma_start3A_145] : memref<8x3200xf32, #tpu.memory_space<vmem>> -> memref<1x3200xf32, #tpu.memory_space<vmem>>
    %dma_start3A_147 = tpu.memref_squeeze %dma_start3A_146 : memref<1x3200xf32, #tpu.memory_space<vmem>> -> memref<3200xf32, #tpu.memory_space<vmem>>
    %dma_start3A_148 = tpu.memref_slice %arg5[%dma_start3A_144, %mul3A_2] : memref<8x102400xf32, #tpu.memory_space<hbm>> -> memref<1x3200xf32, #tpu.memory_space<hbm>>
    %dma_start3A_149 = tpu.memref_squeeze %dma_start3A_148 : memref<1x3200xf32, #tpu.memory_space<hbm>> -> memref<3200xf32, #tpu.memory_space<hbm>>
    %dma_start3A_150 = tpu.memref_slice %arg5[%dma_start3A_144, %mul3A_2] : memref<8x102400xf32, #tpu.memory_space<hbm>> -> memref<1x3200xf32, #tpu.memory_space<hbm>>
    %dma_start3A_151 = tpu.memref_squeeze %dma_start3A_150 : memref<1x3200xf32, #tpu.memory_space<hbm>> -> memref<3200xf32, #tpu.memory_space<hbm>>
    %dma_start3A_152 = arith.constant 0 : i32
    %dma_start3A_153 = tpu.memref_slice %arg9[%dma_start3A_143, %dma_start3A_152] : memref<8x3200xf32, #tpu.memory_space<vmem>> -> memref<1x3200xf32, #tpu.memory_space<vmem>>
    %dma_start3A_154 = tpu.memref_squeeze %dma_start3A_153 : memref<1x3200xf32, #tpu.memory_space<vmem>> -> memref<3200xf32, #tpu.memory_space<vmem>>
    tpu.enqueue_dma source(%dma_start3A_154 : memref<3200xf32, #tpu.memory_space<vmem>>) target(%dma_start3A_151 : memref<3200xf32, #tpu.memory_space<hbm>>) target_semaphore(%arg10 : memref<!tpu.dma_semaphore, #tpu.memory_space<semaphore_mem>>)
    %dma_start3A_155 = arith.constant 6 : i32
    %dma_start3A_156 = arith.constant 6 : i32
    %dma_start3A_157 = arith.constant 0 : i32
    %dma_start3A_158 = tpu.memref_slice %arg8[%dma_start3A_155, %dma_start3A_157] : memref<8x3200xf32, #tpu.memory_space<vmem>> -> memref<1x3200xf32, #tpu.memory_space<vmem>>
    %dma_start3A_159 = tpu.memref_squeeze %dma_start3A_158 : memref<1x3200xf32, #tpu.memory_space<vmem>> -> memref<3200xf32, #tpu.memory_space<vmem>>
    %dma_start3A_160 = tpu.memref_slice %arg4[%dma_start3A_156, %mul3A_2] : memref<8x102400xf32, #tpu.memory_space<hbm>> -> memref<1x3200xf32, #tpu.memory_space<hbm>>
    %dma_start3A_161 = tpu.memref_squeeze %dma_start3A_160 : memref<1x3200xf32, #tpu.memory_space<hbm>> -> memref<3200xf32, #tpu.memory_space<hbm>>
    %dma_start3A_162 = tpu.memref_slice %arg4[%dma_start3A_156, %mul3A_2] : memref<8x102400xf32, #tpu.memory_space<hbm>> -> memref<1x3200xf32, #tpu.memory_space<hbm>>
    %dma_start3A_163 = tpu.memref_squeeze %dma_start3A_162 : memref<1x3200xf32, #tpu.memory_space<hbm>> -> memref<3200xf32, #tpu.memory_space<hbm>>
    %dma_start3A_164 = arith.constant 0 : i32
    %dma_start3A_165 = tpu.memref_slice %arg8[%dma_start3A_155, %dma_start3A_164] : memref<8x3200xf32, #tpu.memory_space<vmem>> -> memref<1x3200xf32, #tpu.memory_space<vmem>>
    %dma_start3A_166 = tpu.memref_squeeze %dma_start3A_165 : memref<1x3200xf32, #tpu.memory_space<vmem>> -> memref<3200xf32, #tpu.memory_space<vmem>>
    tpu.enqueue_dma source(%dma_start3A_166 : memref<3200xf32, #tpu.memory_space<vmem>>) target(%dma_start3A_163 : memref<3200xf32, #tpu.memory_space<hbm>>) target_semaphore(%arg10 : memref<!tpu.dma_semaphore, #tpu.memory_space<semaphore_mem>>)
    %dma_start3A_167 = arith.constant 6 : i32
    %dma_start3A_168 = arith.constant 6 : i32
    %dma_start3A_169 = arith.constant 0 : i32
    %dma_start3A_170 = tpu.memref_slice %arg9[%dma_start3A_167, %dma_start3A_169] : memref<8x3200xf32, #tpu.memory_space<vmem>> -> memref<1x3200xf32, #tpu.memory_space<vmem>>
    %dma_start3A_171 = tpu.memref_squeeze %dma_start3A_170 : memref<1x3200xf32, #tpu.memory_space<vmem>> -> memref<3200xf32, #tpu.memory_space<vmem>>
    %dma_start3A_172 = tpu.memref_slice %arg5[%dma_start3A_168, %mul3A_2] : memref<8x102400xf32, #tpu.memory_space<hbm>> -> memref<1x3200xf32, #tpu.memory_space<hbm>>
    %dma_start3A_173 = tpu.memref_squeeze %dma_start3A_172 : memref<1x3200xf32, #tpu.memory_space<hbm>> -> memref<3200xf32, #tpu.memory_space<hbm>>
    %dma_start3A_174 = tpu.memref_slice %arg5[%dma_start3A_168, %mul3A_2] : memref<8x102400xf32, #tpu.memory_space<hbm>> -> memref<1x3200xf32, #tpu.memory_space<hbm>>
    %dma_start3A_175 = tpu.memref_squeeze %dma_start3A_174 : memref<1x3200xf32, #tpu.memory_space<hbm>> -> memref<3200xf32, #tpu.memory_space<hbm>>
    %dma_start3A_176 = arith.constant 0 : i32
    %dma_start3A_177 = tpu.memref_slice %arg9[%dma_start3A_167, %dma_start3A_176] : memref<8x3200xf32, #tpu.memory_space<vmem>> -> memref<1x3200xf32, #tpu.memory_space<vmem>>
    %dma_start3A_178 = tpu.memref_squeeze %dma_start3A_177 : memref<1x3200xf32, #tpu.memory_space<vmem>> -> memref<3200xf32, #tpu.memory_space<vmem>>
    tpu.enqueue_dma source(%dma_start3A_178 : memref<3200xf32, #tpu.memory_space<vmem>>) target(%dma_start3A_175 : memref<3200xf32, #tpu.memory_space<hbm>>) target_semaphore(%arg10 : memref<!tpu.dma_semaphore, #tpu.memory_space<semaphore_mem>>)
    %dma_start3A_179 = arith.constant 7 : i32
    %dma_start3A_180 = arith.constant 7 : i32
    %dma_start3A_181 = arith.constant 0 : i32
    %dma_start3A_182 = tpu.memref_slice %arg8[%dma_start3A_179, %dma_start3A_181] : memref<8x3200xf32, #tpu.memory_space<vmem>> -> memref<1x3200xf32, #tpu.memory_space<vmem>>
    %dma_start3A_183 = tpu.memref_squeeze %dma_start3A_182 : memref<1x3200xf32, #tpu.memory_space<vmem>> -> memref<3200xf32, #tpu.memory_space<vmem>>
    %dma_start3A_184 = tpu.memref_slice %arg4[%dma_start3A_180, %mul3A_2] : memref<8x102400xf32, #tpu.memory_space<hbm>> -> memref<1x3200xf32, #tpu.memory_space<hbm>>
    %dma_start3A_185 = tpu.memref_squeeze %dma_start3A_184 : memref<1x3200xf32, #tpu.memory_space<hbm>> -> memref<3200xf32, #tpu.memory_space<hbm>>
    %dma_start3A_186 = tpu.memref_slice %arg4[%dma_start3A_180, %mul3A_2] : memref<8x102400xf32, #tpu.memory_space<hbm>> -> memref<1x3200xf32, #tpu.memory_space<hbm>>
    %dma_start3A_187 = tpu.memref_squeeze %dma_start3A_186 : memref<1x3200xf32, #tpu.memory_space<hbm>> -> memref<3200xf32, #tpu.memory_space<hbm>>
    %dma_start3A_188 = arith.constant 0 : i32
    %dma_start3A_189 = tpu.memref_slice %arg8[%dma_start3A_179, %dma_start3A_188] : memref<8x3200xf32, #tpu.memory_space<vmem>> -> memref<1x3200xf32, #tpu.memory_space<vmem>>
    %dma_start3A_190 = tpu.memref_squeeze %dma_start3A_189 : memref<1x3200xf32, #tpu.memory_space<vmem>> -> memref<3200xf32, #tpu.memory_space<vmem>>
    tpu.enqueue_dma source(%dma_start3A_190 : memref<3200xf32, #tpu.memory_space<vmem>>) target(%dma_start3A_187 : memref<3200xf32, #tpu.memory_space<hbm>>) target_semaphore(%arg10 : memref<!tpu.dma_semaphore, #tpu.memory_space<semaphore_mem>>)
    %dma_start3A_191 = arith.constant 7 : i32
    %dma_start3A_192 = arith.constant 7 : i32
    %dma_start3A_193 = arith.constant 0 : i32
    %dma_start3A_194 = tpu.memref_slice %arg9[%dma_start3A_191, %dma_start3A_193] : memref<8x3200xf32, #tpu.memory_space<vmem>> -> memref<1x3200xf32, #tpu.memory_space<vmem>>
    %dma_start3A_195 = tpu.memref_squeeze %dma_start3A_194 : memref<1x3200xf32, #tpu.memory_space<vmem>> -> memref<3200xf32, #tpu.memory_space<vmem>>
    %dma_start3A_196 = tpu.memref_slice %arg5[%dma_start3A_192, %mul3A_2] : memref<8x102400xf32, #tpu.memory_space<hbm>> -> memref<1x3200xf32, #tpu.memory_space<hbm>>
    %dma_start3A_197 = tpu.memref_squeeze %dma_start3A_196 : memref<1x3200xf32, #tpu.memory_space<hbm>> -> memref<3200xf32, #tpu.memory_space<hbm>>
    %dma_start3A_198 = tpu.memref_slice %arg5[%dma_start3A_192, %mul3A_2] : memref<8x102400xf32, #tpu.memory_space<hbm>> -> memref<1x3200xf32, #tpu.memory_space<hbm>>
    %dma_start3A_199 = tpu.memref_squeeze %dma_start3A_198 : memref<1x3200xf32, #tpu.memory_space<hbm>> -> memref<3200xf32, #tpu.memory_space<hbm>>
    %dma_start3A_200 = arith.constant 0 : i32
    %dma_start3A_201 = tpu.memref_slice %arg9[%dma_start3A_191, %dma_start3A_200] : memref<8x3200xf32, #tpu.memory_space<vmem>> -> memref<1x3200xf32, #tpu.memory_space<vmem>>
    %dma_start3A_202 = tpu.memref_squeeze %dma_start3A_201 : memref<1x3200xf32, #tpu.memory_space<vmem>> -> memref<3200xf32, #tpu.memory_space<vmem>>
    tpu.enqueue_dma source(%dma_start3A_202 : memref<3200xf32, #tpu.memory_space<vmem>>) target(%dma_start3A_199 : memref<3200xf32, #tpu.memory_space<hbm>>) target_semaphore(%arg10 : memref<!tpu.dma_semaphore, #tpu.memory_space<semaphore_mem>>)
    %dma_wait3A_203 = arith.constant 0 : i32
    %dma_wait3A_204 = arith.constant 0 : i32
    %dma_wait3A_205 = arith.constant 0 : i32
    %dma_wait3A_206 = tpu.memref_slice %arg8[%dma_wait3A_203, %dma_wait3A_205] : memref<8x3200xf32, #tpu.memory_space<vmem>> -> memref<1x3200xf32, #tpu.memory_space<vmem>>
    %dma_wait3A_207 = tpu.memref_squeeze %dma_wait3A_206 : memref<1x3200xf32, #tpu.memory_space<vmem>> -> memref<3200xf32, #tpu.memory_space<vmem>>
    %dma_wait3A_208 = tpu.memref_slice %arg4[%dma_wait3A_204, %mul3A_2] : memref<8x102400xf32, #tpu.memory_space<hbm>> -> memref<1x3200xf32, #tpu.memory_space<hbm>>
    %dma_wait3A_209 = tpu.memref_squeeze %dma_wait3A_208 : memref<1x3200xf32, #tpu.memory_space<hbm>> -> memref<3200xf32, #tpu.memory_space<hbm>>
    %dma_wait3A_210 = tpu.memref_slice %arg4[%dma_wait3A_204, %mul3A_2] : memref<8x102400xf32, #tpu.memory_space<hbm>> -> memref<1x3200xf32, #tpu.memory_space<hbm>>
    %dma_wait3A_211 = tpu.memref_squeeze %dma_wait3A_210 : memref<1x3200xf32, #tpu.memory_space<hbm>> -> memref<3200xf32, #tpu.memory_space<hbm>>
    %dma_wait3A_212 = arith.constant 0 : i32
    %dma_wait3A_213 = tpu.memref_slice %arg8[%dma_wait3A_203, %dma_wait3A_212] : memref<8x3200xf32, #tpu.memory_space<vmem>> -> memref<1x3200xf32, #tpu.memory_space<vmem>>
    %dma_wait3A_214 = tpu.memref_squeeze %dma_wait3A_213 : memref<1x3200xf32, #tpu.memory_space<vmem>> -> memref<3200xf32, #tpu.memory_space<vmem>>
    tpu.wait_dma2 semaphore(%arg10 : memref<!tpu.dma_semaphore, #tpu.memory_space<semaphore_mem>>) src(%dma_wait3A_214 : memref<3200xf32, #tpu.memory_space<vmem>>) dst(%dma_wait3A_211 : memref<3200xf32, #tpu.memory_space<hbm>>)
    %dma_wait3A_215 = arith.constant 0 : i32
    %dma_wait3A_216 = arith.constant 0 : i32
    %dma_wait3A_217 = arith.constant 0 : i32
    %dma_wait3A_218 = tpu.memref_slice %arg9[%dma_wait3A_215, %dma_wait3A_217] : memref<8x3200xf32, #tpu.memory_space<vmem>> -> memref<1x3200xf32, #tpu.memory_space<vmem>>
    %dma_wait3A_219 = tpu.memref_squeeze %dma_wait3A_218 : memref<1x3200xf32, #tpu.memory_space<vmem>> -> memref<3200xf32, #tpu.memory_space<vmem>>
    %dma_wait3A_220 = tpu.memref_slice %arg5[%dma_wait3A_216, %mul3A_2] : memref<8x102400xf32, #tpu.memory_space<hbm>> -> memref<1x3200xf32, #tpu.memory_space<hbm>>
    %dma_wait3A_221 = tpu.memref_squeeze %dma_wait3A_220 : memref<1x3200xf32, #tpu.memory_space<hbm>> -> memref<3200xf32, #tpu.memory_space<hbm>>
    %dma_wait3A_222 = tpu.memref_slice %arg5[%dma_wait3A_216, %mul3A_2] : memref<8x102400xf32, #tpu.memory_space<hbm>> -> memref<1x3200xf32, #tpu.memory_space<hbm>>
    %dma_wait3A_223 = tpu.memref_squeeze %dma_wait3A_222 : memref<1x3200xf32, #tpu.memory_space<hbm>> -> memref<3200xf32, #tpu.memory_space<hbm>>
    %dma_wait3A_224 = arith.constant 0 : i32
    %dma_wait3A_225 = tpu.memref_slice %arg9[%dma_wait3A_215, %dma_wait3A_224] : memref<8x3200xf32, #tpu.memory_space<vmem>> -> memref<1x3200xf32, #tpu.memory_space<vmem>>
    %dma_wait3A_226 = tpu.memref_squeeze %dma_wait3A_225 : memref<1x3200xf32, #tpu.memory_space<vmem>> -> memref<3200xf32, #tpu.memory_space<vmem>>
    tpu.wait_dma2 semaphore(%arg10 : memref<!tpu.dma_semaphore, #tpu.memory_space<semaphore_mem>>) src(%dma_wait3A_226 : memref<3200xf32, #tpu.memory_space<vmem>>) dst(%dma_wait3A_223 : memref<3200xf32, #tpu.memory_space<hbm>>)
    %dma_wait3A_227 = arith.constant 1 : i32
    %dma_wait3A_228 = arith.constant 1 : i32
    %dma_wait3A_229 = arith.constant 0 : i32
    %dma_wait3A_230 = tpu.memref_slice %arg8[%dma_wait3A_227, %dma_wait3A_229] : memref<8x3200xf32, #tpu.memory_space<vmem>> -> memref<1x3200xf32, #tpu.memory_space<vmem>>
    %dma_wait3A_231 = tpu.memref_squeeze %dma_wait3A_230 : memref<1x3200xf32, #tpu.memory_space<vmem>> -> memref<3200xf32, #tpu.memory_space<vmem>>
    %dma_wait3A_232 = tpu.memref_slice %arg4[%dma_wait3A_228, %mul3A_2] : memref<8x102400xf32, #tpu.memory_space<hbm>> -> memref<1x3200xf32, #tpu.memory_space<hbm>>
    %dma_wait3A_233 = tpu.memref_squeeze %dma_wait3A_232 : memref<1x3200xf32, #tpu.memory_space<hbm>> -> memref<3200xf32, #tpu.memory_space<hbm>>
    %dma_wait3A_234 = tpu.memref_slice %arg4[%dma_wait3A_228, %mul3A_2] : memref<8x102400xf32, #tpu.memory_space<hbm>> -> memref<1x3200xf32, #tpu.memory_space<hbm>>
    %dma_wait3A_235 = tpu.memref_squeeze %dma_wait3A_234 : memref<1x3200xf32, #tpu.memory_space<hbm>> -> memref<3200xf32, #tpu.memory_space<hbm>>
    %dma_wait3A_236 = arith.constant 0 : i32
    %dma_wait3A_237 = tpu.memref_slice %arg8[%dma_wait3A_227, %dma_wait3A_236] : memref<8x3200xf32, #tpu.memory_space<vmem>> -> memref<1x3200xf32, #tpu.memory_space<vmem>>
    %dma_wait3A_238 = tpu.memref_squeeze %dma_wait3A_237 : memref<1x3200xf32, #tpu.memory_space<vmem>> -> memref<3200xf32, #tpu.memory_space<vmem>>
    tpu.wait_dma2 semaphore(%arg10 : memref<!tpu.dma_semaphore, #tpu.memory_space<semaphore_mem>>) src(%dma_wait3A_238 : memref<3200xf32, #tpu.memory_space<vmem>>) dst(%dma_wait3A_235 : memref<3200xf32, #tpu.memory_space<hbm>>)
    %dma_wait3A_239 = arith.constant 1 : i32
    %dma_wait3A_240 = arith.constant 1 : i32
    %dma_wait3A_241 = arith.constant 0 : i32
    %dma_wait3A_242 = tpu.memref_slice %arg9[%dma_wait3A_239, %dma_wait3A_241] : memref<8x3200xf32, #tpu.memory_space<vmem>> -> memref<1x3200xf32, #tpu.memory_space<vmem>>
    %dma_wait3A_243 = tpu.memref_squeeze %dma_wait3A_242 : memref<1x3200xf32, #tpu.memory_space<vmem>> -> memref<3200xf32, #tpu.memory_space<vmem>>
    %dma_wait3A_244 = tpu.memref_slice %arg5[%dma_wait3A_240, %mul3A_2] : memref<8x102400xf32, #tpu.memory_space<hbm>> -> memref<1x3200xf32, #tpu.memory_space<hbm>>
    %dma_wait3A_245 = tpu.memref_squeeze %dma_wait3A_244 : memref<1x3200xf32, #tpu.memory_space<hbm>> -> memref<3200xf32, #tpu.memory_space<hbm>>
    %dma_wait3A_246 = tpu.memref_slice %arg5[%dma_wait3A_240, %mul3A_2] : memref<8x102400xf32, #tpu.memory_space<hbm>> -> memref<1x3200xf32, #tpu.memory_space<hbm>>
    %dma_wait3A_247 = tpu.memref_squeeze %dma_wait3A_246 : memref<1x3200xf32, #tpu.memory_space<hbm>> -> memref<3200xf32, #tpu.memory_space<hbm>>
    %dma_wait3A_248 = arith.constant 0 : i32
    %dma_wait3A_249 = tpu.memref_slice %arg9[%dma_wait3A_239, %dma_wait3A_248] : memref<8x3200xf32, #tpu.memory_space<vmem>> -> memref<1x3200xf32, #tpu.memory_space<vmem>>
    %dma_wait3A_250 = tpu.memref_squeeze %dma_wait3A_249 : memref<1x3200xf32, #tpu.memory_space<vmem>> -> memref<3200xf32, #tpu.memory_space<vmem>>
    tpu.wait_dma2 semaphore(%arg10 : memref<!tpu.dma_semaphore, #tpu.memory_space<semaphore_mem>>) src(%dma_wait3A_250 : memref<3200xf32, #tpu.memory_space<vmem>>) dst(%dma_wait3A_247 : memref<3200xf32, #tpu.memory_space<hbm>>)
    %dma_wait3A_251 = arith.constant 2 : i32
    %dma_wait3A_252 = arith.constant 2 : i32
    %dma_wait3A_253 = arith.constant 0 : i32
    %dma_wait3A_254 = tpu.memref_slice %arg8[%dma_wait3A_251, %dma_wait3A_253] : memref<8x3200xf32, #tpu.memory_space<vmem>> -> memref<1x3200xf32, #tpu.memory_space<vmem>>
    %dma_wait3A_255 = tpu.memref_squeeze %dma_wait3A_254 : memref<1x3200xf32, #tpu.memory_space<vmem>> -> memref<3200xf32, #tpu.memory_space<vmem>>
    %dma_wait3A_256 = tpu.memref_slice %arg4[%dma_wait3A_252, %mul3A_2] : memref<8x102400xf32, #tpu.memory_space<hbm>> -> memref<1x3200xf32, #tpu.memory_space<hbm>>
    %dma_wait3A_257 = tpu.memref_squeeze %dma_wait3A_256 : memref<1x3200xf32, #tpu.memory_space<hbm>> -> memref<3200xf32, #tpu.memory_space<hbm>>
    %dma_wait3A_258 = tpu.memref_slice %arg4[%dma_wait3A_252, %mul3A_2] : memref<8x102400xf32, #tpu.memory_space<hbm>> -> memref<1x3200xf32, #tpu.memory_space<hbm>>
    %dma_wait3A_259 = tpu.memref_squeeze %dma_wait3A_258 : memref<1x3200xf32, #tpu.memory_space<hbm>> -> memref<3200xf32, #tpu.memory_space<hbm>>
    %dma_wait3A_260 = arith.constant 0 : i32
    %dma_wait3A_261 = tpu.memref_slice %arg8[%dma_wait3A_251, %dma_wait3A_260] : memref<8x3200xf32, #tpu.memory_space<vmem>> -> memref<1x3200xf32, #tpu.memory_space<vmem>>
    %dma_wait3A_262 = tpu.memref_squeeze %dma_wait3A_261 : memref<1x3200xf32, #tpu.memory_space<vmem>> -> memref<3200xf32, #tpu.memory_space<vmem>>
    tpu.wait_dma2 semaphore(%arg10 : memref<!tpu.dma_semaphore, #tpu.memory_space<semaphore_mem>>) src(%dma_wait3A_262 : memref<3200xf32, #tpu.memory_space<vmem>>) dst(%dma_wait3A_259 : memref<3200xf32, #tpu.memory_space<hbm>>)
    %dma_wait3A_263 = arith.constant 2 : i32
    %dma_wait3A_264 = arith.constant 2 : i32
    %dma_wait3A_265 = arith.constant 0 : i32
    %dma_wait3A_266 = tpu.memref_slice %arg9[%dma_wait3A_263, %dma_wait3A_265] : memref<8x3200xf32, #tpu.memory_space<vmem>> -> memref<1x3200xf32, #tpu.memory_space<vmem>>
    %dma_wait3A_267 = tpu.memref_squeeze %dma_wait3A_266 : memref<1x3200xf32, #tpu.memory_space<vmem>> -> memref<3200xf32, #tpu.memory_space<vmem>>
    %dma_wait3A_268 = tpu.memref_slice %arg5[%dma_wait3A_264, %mul3A_2] : memref<8x102400xf32, #tpu.memory_space<hbm>> -> memref<1x3200xf32, #tpu.memory_space<hbm>>
    %dma_wait3A_269 = tpu.memref_squeeze %dma_wait3A_268 : memref<1x3200xf32, #tpu.memory_space<hbm>> -> memref<3200xf32, #tpu.memory_space<hbm>>
    %dma_wait3A_270 = tpu.memref_slice %arg5[%dma_wait3A_264, %mul3A_2] : memref<8x102400xf32, #tpu.memory_space<hbm>> -> memref<1x3200xf32, #tpu.memory_space<hbm>>
    %dma_wait3A_271 = tpu.memref_squeeze %dma_wait3A_270 : memref<1x3200xf32, #tpu.memory_space<hbm>> -> memref<3200xf32, #tpu.memory_space<hbm>>
    %dma_wait3A_272 = arith.constant 0 : i32
    %dma_wait3A_273 = tpu.memref_slice %arg9[%dma_wait3A_263, %dma_wait3A_272] : memref<8x3200xf32, #tpu.memory_space<vmem>> -> memref<1x3200xf32, #tpu.memory_space<vmem>>
    %dma_wait3A_274 = tpu.memref_squeeze %dma_wait3A_273 : memref<1x3200xf32, #tpu.memory_space<vmem>> -> memref<3200xf32, #tpu.memory_space<vmem>>
    tpu.wait_dma2 semaphore(%arg10 : memref<!tpu.dma_semaphore, #tpu.memory_space<semaphore_mem>>) src(%dma_wait3A_274 : memref<3200xf32, #tpu.memory_space<vmem>>) dst(%dma_wait3A_271 : memref<3200xf32, #tpu.memory_space<hbm>>)
    %dma_wait3A_275 = arith.constant 3 : i32
    %dma_wait3A_276 = arith.constant 3 : i32
    %dma_wait3A_277 = arith.constant 0 : i32
    %dma_wait3A_278 = tpu.memref_slice %arg8[%dma_wait3A_275, %dma_wait3A_277] : memref<8x3200xf32, #tpu.memory_space<vmem>> -> memref<1x3200xf32, #tpu.memory_space<vmem>>
    %dma_wait3A_279 = tpu.memref_squeeze %dma_wait3A_278 : memref<1x3200xf32, #tpu.memory_space<vmem>> -> memref<3200xf32, #tpu.memory_space<vmem>>
    %dma_wait3A_280 = tpu.memref_slice %arg4[%dma_wait3A_276, %mul3A_2] : memref<8x102400xf32, #tpu.memory_space<hbm>> -> memref<1x3200xf32, #tpu.memory_space<hbm>>
    %dma_wait3A_281 = tpu.memref_squeeze %dma_wait3A_280 : memref<1x3200xf32, #tpu.memory_space<hbm>> -> memref<3200xf32, #tpu.memory_space<hbm>>
    %dma_wait3A_282 = tpu.memref_slice %arg4[%dma_wait3A_276, %mul3A_2] : memref<8x102400xf32, #tpu.memory_space<hbm>> -> memref<1x3200xf32, #tpu.memory_space<hbm>>
    %dma_wait3A_283 = tpu.memref_squeeze %dma_wait3A_282 : memref<1x3200xf32, #tpu.memory_space<hbm>> -> memref<3200xf32, #tpu.memory_space<hbm>>
    %dma_wait3A_284 = arith.constant 0 : i32
    %dma_wait3A_285 = tpu.memref_slice %arg8[%dma_wait3A_275, %dma_wait3A_284] : memref<8x3200xf32, #tpu.memory_space<vmem>> -> memref<1x3200xf32, #tpu.memory_space<vmem>>
    %dma_wait3A_286 = tpu.memref_squeeze %dma_wait3A_285 : memref<1x3200xf32, #tpu.memory_space<vmem>> -> memref<3200xf32, #tpu.memory_space<vmem>>
    tpu.wait_dma2 semaphore(%arg10 : memref<!tpu.dma_semaphore, #tpu.memory_space<semaphore_mem>>) src(%dma_wait3A_286 : memref<3200xf32, #tpu.memory_space<vmem>>) dst(%dma_wait3A_283 : memref<3200xf32, #tpu.memory_space<hbm>>)
    %dma_wait3A_287 = arith.constant 3 : i32
    %dma_wait3A_288 = arith.constant 3 : i32
    %dma_wait3A_289 = arith.constant 0 : i32
    %dma_wait3A_290 = tpu.memref_slice %arg9[%dma_wait3A_287, %dma_wait3A_289] : memref<8x3200xf32, #tpu.memory_space<vmem>> -> memref<1x3200xf32, #tpu.memory_space<vmem>>
    %dma_wait3A_291 = tpu.memref_squeeze %dma_wait3A_290 : memref<1x3200xf32, #tpu.memory_space<vmem>> -> memref<3200xf32, #tpu.memory_space<vmem>>
    %dma_wait3A_292 = tpu.memref_slice %arg5[%dma_wait3A_288, %mul3A_2] : memref<8x102400xf32, #tpu.memory_space<hbm>> -> memref<1x3200xf32, #tpu.memory_space<hbm>>
    %dma_wait3A_293 = tpu.memref_squeeze %dma_wait3A_292 : memref<1x3200xf32, #tpu.memory_space<hbm>> -> memref<3200xf32, #tpu.memory_space<hbm>>
    %dma_wait3A_294 = tpu.memref_slice %arg5[%dma_wait3A_288, %mul3A_2] : memref<8x102400xf32, #tpu.memory_space<hbm>> -> memref<1x3200xf32, #tpu.memory_space<hbm>>
    %dma_wait3A_295 = tpu.memref_squeeze %dma_wait3A_294 : memref<1x3200xf32, #tpu.memory_space<hbm>> -> memref<3200xf32, #tpu.memory_space<hbm>>
    %dma_wait3A_296 = arith.constant 0 : i32
    %dma_wait3A_297 = tpu.memref_slice %arg9[%dma_wait3A_287, %dma_wait3A_296] : memref<8x3200xf32, #tpu.memory_space<vmem>> -> memref<1x3200xf32, #tpu.memory_space<vmem>>
    %dma_wait3A_298 = tpu.memref_squeeze %dma_wait3A_297 : memref<1x3200xf32, #tpu.memory_space<vmem>> -> memref<3200xf32, #tpu.memory_space<vmem>>
    tpu.wait_dma2 semaphore(%arg10 : memref<!tpu.dma_semaphore, #tpu.memory_space<semaphore_mem>>) src(%dma_wait3A_298 : memref<3200xf32, #tpu.memory_space<vmem>>) dst(%dma_wait3A_295 : memref<3200xf32, #tpu.memory_space<hbm>>)
    %dma_wait3A_299 = arith.constant 4 : i32
    %dma_wait3A_300 = arith.constant 4 : i32
    %dma_wait3A_301 = arith.constant 0 : i32
    %dma_wait3A_302 = tpu.memref_slice %arg8[%dma_wait3A_299, %dma_wait3A_301] : memref<8x3200xf32, #tpu.memory_space<vmem>> -> memref<1x3200xf32, #tpu.memory_space<vmem>>
    %dma_wait3A_303 = tpu.memref_squeeze %dma_wait3A_302 : memref<1x3200xf32, #tpu.memory_space<vmem>> -> memref<3200xf32, #tpu.memory_space<vmem>>
    %dma_wait3A_304 = tpu.memref_slice %arg4[%dma_wait3A_300, %mul3A_2] : memref<8x102400xf32, #tpu.memory_space<hbm>> -> memref<1x3200xf32, #tpu.memory_space<hbm>>
    %dma_wait3A_305 = tpu.memref_squeeze %dma_wait3A_304 : memref<1x3200xf32, #tpu.memory_space<hbm>> -> memref<3200xf32, #tpu.memory_space<hbm>>
    %dma_wait3A_306 = tpu.memref_slice %arg4[%dma_wait3A_300, %mul3A_2] : memref<8x102400xf32, #tpu.memory_space<hbm>> -> memref<1x3200xf32, #tpu.memory_space<hbm>>
    %dma_wait3A_307 = tpu.memref_squeeze %dma_wait3A_306 : memref<1x3200xf32, #tpu.memory_space<hbm>> -> memref<3200xf32, #tpu.memory_space<hbm>>
    %dma_wait3A_308 = arith.constant 0 : i32
    %dma_wait3A_309 = tpu.memref_slice %arg8[%dma_wait3A_299, %dma_wait3A_308] : memref<8x3200xf32, #tpu.memory_space<vmem>> -> memref<1x3200xf32, #tpu.memory_space<vmem>>
    %dma_wait3A_310 = tpu.memref_squeeze %dma_wait3A_309 : memref<1x3200xf32, #tpu.memory_space<vmem>> -> memref<3200xf32, #tpu.memory_space<vmem>>
    tpu.wait_dma2 semaphore(%arg10 : memref<!tpu.dma_semaphore, #tpu.memory_space<semaphore_mem>>) src(%dma_wait3A_310 : memref<3200xf32, #tpu.memory_space<vmem>>) dst(%dma_wait3A_307 : memref<3200xf32, #tpu.memory_space<hbm>>)
    %dma_wait3A_311 = arith.constant 4 : i32
    %dma_wait3A_312 = arith.constant 4 : i32
    %dma_wait3A_313 = arith.constant 0 : i32
    %dma_wait3A_314 = tpu.memref_slice %arg9[%dma_wait3A_311, %dma_wait3A_313] : memref<8x3200xf32, #tpu.memory_space<vmem>> -> memref<1x3200xf32, #tpu.memory_space<vmem>>
    %dma_wait3A_315 = tpu.memref_squeeze %dma_wait3A_314 : memref<1x3200xf32, #tpu.memory_space<vmem>> -> memref<3200xf32, #tpu.memory_space<vmem>>
    %dma_wait3A_316 = tpu.memref_slice %arg5[%dma_wait3A_312, %mul3A_2] : memref<8x102400xf32, #tpu.memory_space<hbm>> -> memref<1x3200xf32, #tpu.memory_space<hbm>>
    %dma_wait3A_317 = tpu.memref_squeeze %dma_wait3A_316 : memref<1x3200xf32, #tpu.memory_space<hbm>> -> memref<3200xf32, #tpu.memory_space<hbm>>
    %dma_wait3A_318 = tpu.memref_slice %arg5[%dma_wait3A_312, %mul3A_2] : memref<8x102400xf32, #tpu.memory_space<hbm>> -> memref<1x3200xf32, #tpu.memory_space<hbm>>
    %dma_wait3A_319 = tpu.memref_squeeze %dma_wait3A_318 : memref<1x3200xf32, #tpu.memory_space<hbm>> -> memref<3200xf32, #tpu.memory_space<hbm>>
    %dma_wait3A_320 = arith.constant 0 : i32
    %dma_wait3A_321 = tpu.memref_slice %arg9[%dma_wait3A_311, %dma_wait3A_320] : memref<8x3200xf32, #tpu.memory_space<vmem>> -> memref<1x3200xf32, #tpu.memory_space<vmem>>
    %dma_wait3A_322 = tpu.memref_squeeze %dma_wait3A_321 : memref<1x3200xf32, #tpu.memory_space<vmem>> -> memref<3200xf32, #tpu.memory_space<vmem>>
    tpu.wait_dma2 semaphore(%arg10 : memref<!tpu.dma_semaphore, #tpu.memory_space<semaphore_mem>>) src(%dma_wait3A_322 : memref<3200xf32, #tpu.memory_space<vmem>>) dst(%dma_wait3A_319 : memref<3200xf32, #tpu.memory_space<hbm>>)
    %dma_wait3A_323 = arith.constant 5 : i32
    %dma_wait3A_324 = arith.constant 5 : i32
    %dma_wait3A_325 = arith.constant 0 : i32
    %dma_wait3A_326 = tpu.memref_slice %arg8[%dma_wait3A_323, %dma_wait3A_325] : memref<8x3200xf32, #tpu.memory_space<vmem>> -> memref<1x3200xf32, #tpu.memory_space<vmem>>
    %dma_wait3A_327 = tpu.memref_squeeze %dma_wait3A_326 : memref<1x3200xf32, #tpu.memory_space<vmem>> -> memref<3200xf32, #tpu.memory_space<vmem>>
    %dma_wait3A_328 = tpu.memref_slice %arg4[%dma_wait3A_324, %mul3A_2] : memref<8x102400xf32, #tpu.memory_space<hbm>> -> memref<1x3200xf32, #tpu.memory_space<hbm>>
    %dma_wait3A_329 = tpu.memref_squeeze %dma_wait3A_328 : memref<1x3200xf32, #tpu.memory_space<hbm>> -> memref<3200xf32, #tpu.memory_space<hbm>>
    %dma_wait3A_330 = tpu.memref_slice %arg4[%dma_wait3A_324, %mul3A_2] : memref<8x102400xf32, #tpu.memory_space<hbm>> -> memref<1x3200xf32, #tpu.memory_space<hbm>>
    %dma_wait3A_331 = tpu.memref_squeeze %dma_wait3A_330 : memref<1x3200xf32, #tpu.memory_space<hbm>> -> memref<3200xf32, #tpu.memory_space<hbm>>
    %dma_wait3A_332 = arith.constant 0 : i32
    %dma_wait3A_333 = tpu.memref_slice %arg8[%dma_wait3A_323, %dma_wait3A_332] : memref<8x3200xf32, #tpu.memory_space<vmem>> -> memref<1x3200xf32, #tpu.memory_space<vmem>>
    %dma_wait3A_334 = tpu.memref_squeeze %dma_wait3A_333 : memref<1x3200xf32, #tpu.memory_space<vmem>> -> memref<3200xf32, #tpu.memory_space<vmem>>
    tpu.wait_dma2 semaphore(%arg10 : memref<!tpu.dma_semaphore, #tpu.memory_space<semaphore_mem>>) src(%dma_wait3A_334 : memref<3200xf32, #tpu.memory_space<vmem>>) dst(%dma_wait3A_331 : memref<3200xf32, #tpu.memory_space<hbm>>)
    %dma_wait3A_335 = arith.constant 5 : i32
    %dma_wait3A_336 = arith.constant 5 : i32
    %dma_wait3A_337 = arith.constant 0 : i32
    %dma_wait3A_338 = tpu.memref_slice %arg9[%dma_wait3A_335, %dma_wait3A_337] : memref<8x3200xf32, #tpu.memory_space<vmem>> -> memref<1x3200xf32, #tpu.memory_space<vmem>>
    %dma_wait3A_339 = tpu.memref_squeeze %dma_wait3A_338 : memref<1x3200xf32, #tpu.memory_space<vmem>> -> memref<3200xf32, #tpu.memory_space<vmem>>
    %dma_wait3A_340 = tpu.memref_slice %arg5[%dma_wait3A_336, %mul3A_2] : memref<8x102400xf32, #tpu.memory_space<hbm>> -> memref<1x3200xf32, #tpu.memory_space<hbm>>
    %dma_wait3A_341 = tpu.memref_squeeze %dma_wait3A_340 : memref<1x3200xf32, #tpu.memory_space<hbm>> -> memref<3200xf32, #tpu.memory_space<hbm>>
    %dma_wait3A_342 = tpu.memref_slice %arg5[%dma_wait3A_336, %mul3A_2] : memref<8x102400xf32, #tpu.memory_space<hbm>> -> memref<1x3200xf32, #tpu.memory_space<hbm>>
    %dma_wait3A_343 = tpu.memref_squeeze %dma_wait3A_342 : memref<1x3200xf32, #tpu.memory_space<hbm>> -> memref<3200xf32, #tpu.memory_space<hbm>>
    %dma_wait3A_344 = arith.constant 0 : i32
    %dma_wait3A_345 = tpu.memref_slice %arg9[%dma_wait3A_335, %dma_wait3A_344] : memref<8x3200xf32, #tpu.memory_space<vmem>> -> memref<1x3200xf32, #tpu.memory_space<vmem>>
    %dma_wait3A_346 = tpu.memref_squeeze %dma_wait3A_345 : memref<1x3200xf32, #tpu.memory_space<vmem>> -> memref<3200xf32, #tpu.memory_space<vmem>>
    tpu.wait_dma2 semaphore(%arg10 : memref<!tpu.dma_semaphore, #tpu.memory_space<semaphore_mem>>) src(%dma_wait3A_346 : memref<3200xf32, #tpu.memory_space<vmem>>) dst(%dma_wait3A_343 : memref<3200xf32, #tpu.memory_space<hbm>>)
    %dma_wait3A_347 = arith.constant 6 : i32
    %dma_wait3A_348 = arith.constant 6 : i32
    %dma_wait3A_349 = arith.constant 0 : i32
    %dma_wait3A_350 = tpu.memref_slice %arg8[%dma_wait3A_347, %dma_wait3A_349] : memref<8x3200xf32, #tpu.memory_space<vmem>> -> memref<1x3200xf32, #tpu.memory_space<vmem>>
    %dma_wait3A_351 = tpu.memref_squeeze %dma_wait3A_350 : memref<1x3200xf32, #tpu.memory_space<vmem>> -> memref<3200xf32, #tpu.memory_space<vmem>>
    %dma_wait3A_352 = tpu.memref_slice %arg4[%dma_wait3A_348, %mul3A_2] : memref<8x102400xf32, #tpu.memory_space<hbm>> -> memref<1x3200xf32, #tpu.memory_space<hbm>>
    %dma_wait3A_353 = tpu.memref_squeeze %dma_wait3A_352 : memref<1x3200xf32, #tpu.memory_space<hbm>> -> memref<3200xf32, #tpu.memory_space<hbm>>
    %dma_wait3A_354 = tpu.memref_slice %arg4[%dma_wait3A_348, %mul3A_2] : memref<8x102400xf32, #tpu.memory_space<hbm>> -> memref<1x3200xf32, #tpu.memory_space<hbm>>
    %dma_wait3A_355 = tpu.memref_squeeze %dma_wait3A_354 : memref<1x3200xf32, #tpu.memory_space<hbm>> -> memref<3200xf32, #tpu.memory_space<hbm>>
    %dma_wait3A_356 = arith.constant 0 : i32
    %dma_wait3A_357 = tpu.memref_slice %arg8[%dma_wait3A_347, %dma_wait3A_356] : memref<8x3200xf32, #tpu.memory_space<vmem>> -> memref<1x3200xf32, #tpu.memory_space<vmem>>
    %dma_wait3A_358 = tpu.memref_squeeze %dma_wait3A_357 : memref<1x3200xf32, #tpu.memory_space<vmem>> -> memref<3200xf32, #tpu.memory_space<vmem>>
    tpu.wait_dma2 semaphore(%arg10 : memref<!tpu.dma_semaphore, #tpu.memory_space<semaphore_mem>>) src(%dma_wait3A_358 : memref<3200xf32, #tpu.memory_space<vmem>>) dst(%dma_wait3A_355 : memref<3200xf32, #tpu.memory_space<hbm>>)
    %dma_wait3A_359 = arith.constant 6 : i32
    %dma_wait3A_360 = arith.constant 6 : i32
    %dma_wait3A_361 = arith.constant 0 : i32
    %dma_wait3A_362 = tpu.memref_slice %arg9[%dma_wait3A_359, %dma_wait3A_361] : memref<8x3200xf32, #tpu.memory_space<vmem>> -> memref<1x3200xf32, #tpu.memory_space<vmem>>
    %dma_wait3A_363 = tpu.memref_squeeze %dma_wait3A_362 : memref<1x3200xf32, #tpu.memory_space<vmem>> -> memref<3200xf32, #tpu.memory_space<vmem>>
    %dma_wait3A_364 = tpu.memref_slice %arg5[%dma_wait3A_360, %mul3A_2] : memref<8x102400xf32, #tpu.memory_space<hbm>> -> memref<1x3200xf32, #tpu.memory_space<hbm>>
    %dma_wait3A_365 = tpu.memref_squeeze %dma_wait3A_364 : memref<1x3200xf32, #tpu.memory_space<hbm>> -> memref<3200xf32, #tpu.memory_space<hbm>>
    %dma_wait3A_366 = tpu.memref_slice %arg5[%dma_wait3A_360, %mul3A_2] : memref<8x102400xf32, #tpu.memory_space<hbm>> -> memref<1x3200xf32, #tpu.memory_space<hbm>>
    %dma_wait3A_367 = tpu.memref_squeeze %dma_wait3A_366 : memref<1x3200xf32, #tpu.memory_space<hbm>> -> memref<3200xf32, #tpu.memory_space<hbm>>
    %dma_wait3A_368 = arith.constant 0 : i32
    %dma_wait3A_369 = tpu.memref_slice %arg9[%dma_wait3A_359, %dma_wait3A_368] : memref<8x3200xf32, #tpu.memory_space<vmem>> -> memref<1x3200xf32, #tpu.memory_space<vmem>>
    %dma_wait3A_370 = tpu.memref_squeeze %dma_wait3A_369 : memref<1x3200xf32, #tpu.memory_space<vmem>> -> memref<3200xf32, #tpu.memory_space<vmem>>
    tpu.wait_dma2 semaphore(%arg10 : memref<!tpu.dma_semaphore, #tpu.memory_space<semaphore_mem>>) src(%dma_wait3A_370 : memref<3200xf32, #tpu.memory_space<vmem>>) dst(%dma_wait3A_367 : memref<3200xf32, #tpu.memory_space<hbm>>)
    %dma_wait3A_371 = arith.constant 7 : i32
    %dma_wait3A_372 = arith.constant 7 : i32
    %dma_wait3A_373 = arith.constant 0 : i32
    %dma_wait3A_374 = tpu.memref_slice %arg8[%dma_wait3A_371, %dma_wait3A_373] : memref<8x3200xf32, #tpu.memory_space<vmem>> -> memref<1x3200xf32, #tpu.memory_space<vmem>>
    %dma_wait3A_375 = tpu.memref_squeeze %dma_wait3A_374 : memref<1x3200xf32, #tpu.memory_space<vmem>> -> memref<3200xf32, #tpu.memory_space<vmem>>
    %dma_wait3A_376 = tpu.memref_slice %arg4[%dma_wait3A_372, %mul3A_2] : memref<8x102400xf32, #tpu.memory_space<hbm>> -> memref<1x3200xf32, #tpu.memory_space<hbm>>
    %dma_wait3A_377 = tpu.memref_squeeze %dma_wait3A_376 : memref<1x3200xf32, #tpu.memory_space<hbm>> -> memref<3200xf32, #tpu.memory_space<hbm>>
    %dma_wait3A_378 = tpu.memref_slice %arg4[%dma_wait3A_372, %mul3A_2] : memref<8x102400xf32, #tpu.memory_space<hbm>> -> memref<1x3200xf32, #tpu.memory_space<hbm>>
    %dma_wait3A_379 = tpu.memref_squeeze %dma_wait3A_378 : memref<1x3200xf32, #tpu.memory_space<hbm>> -> memref<3200xf32, #tpu.memory_space<hbm>>
    %dma_wait3A_380 = arith.constant 0 : i32
    %dma_wait3A_381 = tpu.memref_slice %arg8[%dma_wait3A_371, %dma_wait3A_380] : memref<8x3200xf32, #tpu.memory_space<vmem>> -> memref<1x3200xf32, #tpu.memory_space<vmem>>
    %dma_wait3A_382 = tpu.memref_squeeze %dma_wait3A_381 : memref<1x3200xf32, #tpu.memory_space<vmem>> -> memref<3200xf32, #tpu.memory_space<vmem>>
    tpu.wait_dma2 semaphore(%arg10 : memref<!tpu.dma_semaphore, #tpu.memory_space<semaphore_mem>>) src(%dma_wait3A_382 : memref<3200xf32, #tpu.memory_space<vmem>>) dst(%dma_wait3A_379 : memref<3200xf32, #tpu.memory_space<hbm>>)
    %dma_wait3A_383 = arith.constant 7 : i32
    %dma_wait3A_384 = arith.constant 7 : i32
    %dma_wait3A_385 = arith.constant 0 : i32
    %dma_wait3A_386 = tpu.memref_slice %arg9[%dma_wait3A_383, %dma_wait3A_385] : memref<8x3200xf32, #tpu.memory_space<vmem>> -> memref<1x3200xf32, #tpu.memory_space<vmem>>
    %dma_wait3A_387 = tpu.memref_squeeze %dma_wait3A_386 : memref<1x3200xf32, #tpu.memory_space<vmem>> -> memref<3200xf32, #tpu.memory_space<vmem>>
    %dma_wait3A_388 = tpu.memref_slice %arg5[%dma_wait3A_384, %mul3A_2] : memref<8x102400xf32, #tpu.memory_space<hbm>> -> memref<1x3200xf32, #tpu.memory_space<hbm>>
    %dma_wait3A_389 = tpu.memref_squeeze %dma_wait3A_388 : memref<1x3200xf32, #tpu.memory_space<hbm>> -> memref<3200xf32, #tpu.memory_space<hbm>>
    %dma_wait3A_390 = tpu.memref_slice %arg5[%dma_wait3A_384, %mul3A_2] : memref<8x102400xf32, #tpu.memory_space<hbm>> -> memref<1x3200xf32, #tpu.memory_space<hbm>>
    %dma_wait3A_391 = tpu.memref_squeeze %dma_wait3A_390 : memref<1x3200xf32, #tpu.memory_space<hbm>> -> memref<3200xf32, #tpu.memory_space<hbm>>
    %dma_wait3A_392 = arith.constant 0 : i32
    %dma_wait3A_393 = tpu.memref_slice %arg9[%dma_wait3A_383, %dma_wait3A_392] : memref<8x3200xf32, #tpu.memory_space<vmem>> -> memref<1x3200xf32, #tpu.memory_space<vmem>>
    %dma_wait3A_394 = tpu.memref_squeeze %dma_wait3A_393 : memref<1x3200xf32, #tpu.memory_space<vmem>> -> memref<3200xf32, #tpu.memory_space<vmem>>
    tpu.wait_dma2 semaphore(%arg10 : memref<!tpu.dma_semaphore, #tpu.memory_space<semaphore_mem>>) src(%dma_wait3A_394 : memref<3200xf32, #tpu.memory_space<vmem>>) dst(%dma_wait3A_391 : memref<3200xf32, #tpu.memory_space<hbm>>)
    return
  }
}

module attributes {stable_mosaic.version = 14 : i64} {
  func.func @_edge_body(%arg0: i32, %arg1: memref<3x12800xf32, #tpu.memory_space<vmem>>, %arg2: memref<16x12800xf32, #tpu.memory_space<vmem>>) attributes {dimension_semantics = [#tpu.dimension_semantics<arbitrary>], iteration_bounds = array<i64: 125>, scalar_prefetch = 0 : i64, scratch_operands = 0 : i64, tpu.core_type = #tpu.core_type<tc>, window_params = [{transform_indices = @transform_0, window_bounds = array<i64: 3, 12800>}, {transform_indices = @transform_1, window_bounds = array<i64: 16, 12800>}]} {
    %get3A = arith.constant 0 : index
    %get3A_0 = arith.constant 0 : index
    %get3A_1 = vector.load %arg1[%get3A, %get3A_0] : memref<3x12800xf32, #tpu.memory_space<vmem>>, vector<3x12800xf32>
    %slice3A = vector.extract_strided_slice %get3A_1 {offsets = [0, 0], sizes = [1, 12800], strides = [1, 1]} : vector<3x12800xf32> to vector<1x12800xf32>
    %slice3A_2 = vector.extract_strided_slice %get3A_1 {offsets = [1, 0], sizes = [1, 12800], strides = [1, 1]} : vector<3x12800xf32> to vector<1x12800xf32>
    %slice3A_3 = vector.extract_strided_slice %get3A_1 {offsets = [2, 0], sizes = [1, 12800], strides = [1, 1]} : vector<3x12800xf32> to vector<1x12800xf32>
    %mul3A = arith.mulf %slice3A, %slice3A : vector<1x12800xf32>
    %mul3A_4 = arith.mulf %slice3A_2, %slice3A_2 : vector<1x12800xf32>
    %add3A = arith.addf %mul3A, %mul3A_4 : vector<1x12800xf32>
    %mul3A_5 = arith.mulf %slice3A_3, %slice3A_3 : vector<1x12800xf32>
    %add3A_6 = arith.addf %add3A, %mul3A_5 : vector<1x12800xf32>
    %sqrt3A = math.sqrt %add3A_6 : vector<1x12800xf32>
    %mul3A_7 = arith.constant 0.628318548 : f32
    %mul3A_8 = vector.broadcast %mul3A_7 : f32 to vector<1x12800xf32>
    %mul3A_9 = arith.mulf %sqrt3A, %mul3A_8 : vector<1x12800xf32>
    %mul3A_10 = arith.constant 0.636619746 : f32
    %mul3A_11 = vector.broadcast %mul3A_10 : f32 to vector<1x12800xf32>
    %mul3A_12 = arith.mulf %mul3A_9, %mul3A_11 : vector<1x12800xf32>
    %round3A = math.roundeven %mul3A_12 : vector<1x12800xf32>
    %mul3A_13 = arith.constant 1.57079637 : f32
    %mul3A_14 = vector.broadcast %mul3A_13 : f32 to vector<1x12800xf32>
    %mul3A_15 = arith.mulf %round3A, %mul3A_14 : vector<1x12800xf32>
    %sub3A = arith.subf %mul3A_9, %mul3A_15 : vector<1x12800xf32>
    %mul3A_16 = arith.mulf %sub3A, %sub3A : vector<1x12800xf32>
    %mul3A_17 = arith.constant -1.98412701E-4 : f32
    %mul3A_18 = vector.broadcast %mul3A_17 : f32 to vector<1x12800xf32>
    %mul3A_19 = arith.mulf %mul3A_16, %mul3A_18 : vector<1x12800xf32>
    %add3A_20 = arith.constant 0.00833333377 : f32
    %add3A_21 = vector.broadcast %add3A_20 : f32 to vector<1x12800xf32>
    %add3A_22 = arith.addf %add3A_21, %mul3A_19 : vector<1x12800xf32>
    %mul3A_23 = arith.mulf %mul3A_16, %add3A_22 : vector<1x12800xf32>
    %add3A_24 = arith.constant -0.166666672 : f32
    %add3A_25 = vector.broadcast %add3A_24 : f32 to vector<1x12800xf32>
    %add3A_26 = arith.addf %add3A_25, %mul3A_23 : vector<1x12800xf32>
    %mul3A_27 = arith.mulf %mul3A_16, %add3A_26 : vector<1x12800xf32>
    %add3A_28 = arith.constant 1.000000e+00 : f32
    %add3A_29 = vector.broadcast %add3A_28 : f32 to vector<1x12800xf32>
    %add3A_30 = arith.addf %add3A_29, %mul3A_27 : vector<1x12800xf32>
    %mul3A_31 = arith.mulf %sub3A, %add3A_30 : vector<1x12800xf32>
    %mul3A_32 = arith.constant 2.48015876E-5 : f32
    %mul3A_33 = vector.broadcast %mul3A_32 : f32 to vector<1x12800xf32>
    %mul3A_34 = arith.mulf %mul3A_16, %mul3A_33 : vector<1x12800xf32>
    %add3A_35 = arith.constant -0.00138888892 : f32
    %add3A_36 = vector.broadcast %add3A_35 : f32 to vector<1x12800xf32>
    %add3A_37 = arith.addf %add3A_36, %mul3A_34 : vector<1x12800xf32>
    %mul3A_38 = arith.mulf %mul3A_16, %add3A_37 : vector<1x12800xf32>
    %add3A_39 = arith.constant 0.0416666679 : f32
    %add3A_40 = vector.broadcast %add3A_39 : f32 to vector<1x12800xf32>
    %add3A_41 = arith.addf %add3A_40, %mul3A_38 : vector<1x12800xf32>
    %mul3A_42 = arith.mulf %mul3A_16, %add3A_41 : vector<1x12800xf32>
    %add3A_43 = arith.constant -5.000000e-01 : f32
    %add3A_44 = vector.broadcast %add3A_43 : f32 to vector<1x12800xf32>
    %add3A_45 = arith.addf %add3A_44, %mul3A_42 : vector<1x12800xf32>
    %mul3A_46 = arith.mulf %mul3A_16, %add3A_45 : vector<1x12800xf32>
    %add3A_47 = arith.constant 1.000000e+00 : f32
    %add3A_48 = vector.broadcast %add3A_47 : f32 to vector<1x12800xf32>
    %add3A_49 = arith.addf %add3A_48, %mul3A_46 : vector<1x12800xf32>
    %convert_element_type3A = arith.fptosi %round3A : vector<1x12800xf32> to vector<1x12800xi32>
    %and3A = arith.constant 3 : i32
    %and3A_50 = vector.broadcast %and3A : i32 to vector<1x12800xi32>
    %and3A_51 = arith.andi %convert_element_type3A, %and3A_50 : vector<1x12800xi32>
    %and3A_52 = arith.constant 1 : i32
    %and3A_53 = vector.broadcast %and3A_52 : i32 to vector<1x12800xi32>
    %and3A_54 = arith.andi %and3A_51, %and3A_53 : vector<1x12800xi32>
    %eq3A = arith.constant 1 : i32
    %eq3A_55 = vector.broadcast %eq3A : i32 to vector<1x12800xi32>
    %eq3A_56 = arith.cmpi eq, %and3A_54, %eq3A_55 : vector<1x12800xi32>
    %ge3A = arith.constant 2 : i32
    %ge3A_57 = vector.broadcast %ge3A : i32 to vector<1x12800xi32>
    %ge3A_58 = arith.cmpi sge, %and3A_51, %ge3A_57 : vector<1x12800xi32>
    %jit3A = arith.constant -1.000000e+00 : f32
    %jit3A_59 = arith.constant 1.000000e+00 : f32
    %broadcast_in_dim3A = vector.broadcast %jit3A : f32 to vector<1x12800xf32>
    %broadcast_in_dim3A_60 = vector.broadcast %jit3A_59 : f32 to vector<1x12800xf32>
    %select_n3A = arith.select %ge3A_58, %broadcast_in_dim3A, %broadcast_in_dim3A_60 : vector<1x12800xi1>, vector<1x12800xf32>
    %eq3A_61 = arith.constant 1 : i32
    %eq3A_62 = vector.broadcast %eq3A_61 : i32 to vector<1x12800xi32>
    %eq3A_63 = arith.cmpi eq, %and3A_51, %eq3A_62 : vector<1x12800xi32>
    %eq3A_64 = arith.constant 2 : i32
    %eq3A_65 = vector.broadcast %eq3A_64 : i32 to vector<1x12800xi32>
    %eq3A_66 = arith.cmpi eq, %and3A_51, %eq3A_65 : vector<1x12800xi32>
    %or3A = arith.ori %eq3A_63, %eq3A_66 : vector<1x12800xi1>
    %jit3A_67 = arith.constant -1.000000e+00 : f32
    %jit3A_68 = arith.constant 1.000000e+00 : f32
    %broadcast_in_dim3A_69 = vector.broadcast %jit3A_67 : f32 to vector<1x12800xf32>
    %broadcast_in_dim3A_70 = vector.broadcast %jit3A_68 : f32 to vector<1x12800xf32>
    %select_n3A_71 = arith.select %or3A, %broadcast_in_dim3A_69, %broadcast_in_dim3A_70 : vector<1x12800xi1>, vector<1x12800xf32>
    %select_n3A_72 = arith.select %eq3A_56, %add3A_49, %mul3A_31 : vector<1x12800xi1>, vector<1x12800xf32>
    %mul3A_73 = arith.mulf %select_n3A, %select_n3A_72 : vector<1x12800xf32>
    %select_n3A_74 = arith.select %eq3A_56, %mul3A_31, %add3A_49 : vector<1x12800xi1>, vector<1x12800xf32>
    %mul3A_75 = arith.mulf %select_n3A_71, %select_n3A_74 : vector<1x12800xf32>
    %div3A = arith.constant 0.632455527 : f32
    %div3A_76 = vector.broadcast %div3A : f32 to vector<1x12800xf32>
    %div3A_77 = arith.divf %div3A_76, %sqrt3A : vector<1x12800xf32>
    %mul3A_78 = arith.mulf %div3A_77, %mul3A_73 : vector<1x12800xf32>
    %mul3A_79 = arith.constant 2.000000e+00 : f32
    %mul3A_80 = vector.broadcast %mul3A_79 : f32 to vector<1x12800xf32>
    %mul3A_81 = arith.mulf %mul3A_80, %mul3A_75 : vector<1x12800xf32>
    %broadcast_in_dim3A_82 = arith.constant 0.000000e+00 : f32
    %broadcast_in_dim3A_83 = vector.broadcast %broadcast_in_dim3A_82 : f32 to vector<1x12800xf32>
    %swap3A = arith.constant 0 : index
    %swap3A_84 = arith.constant 0 : index
    %swap3A_85 = vector.load %arg2[%swap3A, %swap3A_84] : memref<16x12800xf32, #tpu.memory_space<vmem>>, vector<1x12800xf32>
    tpu.vector_store %arg2[%swap3A, %swap3A_84], %mul3A_78 {strides = array<i32>} : memref<16x12800xf32, #tpu.memory_space<vmem>>, vector<1x12800xf32>,
    %mul3A_86 = arith.mulf %mul3A_81, %mul3A_78 : vector<1x12800xf32>
    %sub3A_87 = arith.subf %mul3A_86, %broadcast_in_dim3A_83 : vector<1x12800xf32>
    %swap3A_88 = arith.constant 1 : index
    %swap3A_89 = arith.constant 0 : index
    %swap3A_90 = vector.load %arg2[%swap3A_88, %swap3A_89] : memref<16x12800xf32, #tpu.memory_space<vmem>>, vector<1x12800xf32>
    tpu.vector_store %arg2[%swap3A_88, %swap3A_89], %sub3A_87 {strides = array<i32>} : memref<16x12800xf32, #tpu.memory_space<vmem>>, vector<1x12800xf32>,
    %mul3A_91 = arith.mulf %mul3A_81, %sub3A_87 : vector<1x12800xf32>
    %sub3A_92 = arith.subf %mul3A_91, %mul3A_78 : vector<1x12800xf32>
    %swap3A_93 = arith.constant 2 : index
    %swap3A_94 = arith.constant 0 : index
    %swap3A_95 = vector.load %arg2[%swap3A_93, %swap3A_94] : memref<16x12800xf32, #tpu.memory_space<vmem>>, vector<1x12800xf32>
    tpu.vector_store %arg2[%swap3A_93, %swap3A_94], %sub3A_92 {strides = array<i32>} : memref<16x12800xf32, #tpu.memory_space<vmem>>, vector<1x12800xf32>,
    %mul3A_96 = arith.mulf %mul3A_81, %sub3A_92 : vector<1x12800xf32>
    %sub3A_97 = arith.subf %mul3A_96, %sub3A_87 : vector<1x12800xf32>
    %swap3A_98 = arith.constant 3 : index
    %swap3A_99 = arith.constant 0 : index
    %swap3A_100 = vector.load %arg2[%swap3A_98, %swap3A_99] : memref<16x12800xf32, #tpu.memory_space<vmem>>, vector<1x12800xf32>
    tpu.vector_store %arg2[%swap3A_98, %swap3A_99], %sub3A_97 {strides = array<i32>} : memref<16x12800xf32, #tpu.memory_space<vmem>>, vector<1x12800xf32>,
    %mul3A_101 = arith.mulf %mul3A_81, %sub3A_97 : vector<1x12800xf32>
    %sub3A_102 = arith.subf %mul3A_101, %sub3A_92 : vector<1x12800xf32>
    %swap3A_103 = arith.constant 4 : index
    %swap3A_104 = arith.constant 0 : index
    %swap3A_105 = vector.load %arg2[%swap3A_103, %swap3A_104] : memref<16x12800xf32, #tpu.memory_space<vmem>>, vector<1x12800xf32>
    tpu.vector_store %arg2[%swap3A_103, %swap3A_104], %sub3A_102 {strides = array<i32>} : memref<16x12800xf32, #tpu.memory_space<vmem>>, vector<1x12800xf32>,
    %mul3A_106 = arith.mulf %mul3A_81, %sub3A_102 : vector<1x12800xf32>
    %sub3A_107 = arith.subf %mul3A_106, %sub3A_97 : vector<1x12800xf32>
    %swap3A_108 = arith.constant 5 : index
    %swap3A_109 = arith.constant 0 : index
    %swap3A_110 = vector.load %arg2[%swap3A_108, %swap3A_109] : memref<16x12800xf32, #tpu.memory_space<vmem>>, vector<1x12800xf32>
    tpu.vector_store %arg2[%swap3A_108, %swap3A_109], %sub3A_107 {strides = array<i32>} : memref<16x12800xf32, #tpu.memory_space<vmem>>, vector<1x12800xf32>,
    %mul3A_111 = arith.mulf %mul3A_81, %sub3A_107 : vector<1x12800xf32>
    %sub3A_112 = arith.subf %mul3A_111, %sub3A_102 : vector<1x12800xf32>
    %swap3A_113 = arith.constant 6 : index
    %swap3A_114 = arith.constant 0 : index
    %swap3A_115 = vector.load %arg2[%swap3A_113, %swap3A_114] : memref<16x12800xf32, #tpu.memory_space<vmem>>, vector<1x12800xf32>
    tpu.vector_store %arg2[%swap3A_113, %swap3A_114], %sub3A_112 {strides = array<i32>} : memref<16x12800xf32, #tpu.memory_space<vmem>>, vector<1x12800xf32>,
    %mul3A_116 = arith.mulf %mul3A_81, %sub3A_112 : vector<1x12800xf32>
    %sub3A_117 = arith.subf %mul3A_116, %sub3A_107 : vector<1x12800xf32>
    %swap3A_118 = arith.constant 7 : index
    %swap3A_119 = arith.constant 0 : index
    %swap3A_120 = vector.load %arg2[%swap3A_118, %swap3A_119] : memref<16x12800xf32, #tpu.memory_space<vmem>>, vector<1x12800xf32>
    tpu.vector_store %arg2[%swap3A_118, %swap3A_119], %sub3A_117 {strides = array<i32>} : memref<16x12800xf32, #tpu.memory_space<vmem>>, vector<1x12800xf32>,
    %mul3A_121 = arith.mulf %mul3A_81, %sub3A_117 : vector<1x12800xf32>
    %sub3A_122 = arith.subf %mul3A_121, %sub3A_112 : vector<1x12800xf32>
    %swap3A_123 = arith.constant 8 : index
    %swap3A_124 = arith.constant 0 : index
    %swap3A_125 = vector.load %arg2[%swap3A_123, %swap3A_124] : memref<16x12800xf32, #tpu.memory_space<vmem>>, vector<1x12800xf32>
    tpu.vector_store %arg2[%swap3A_123, %swap3A_124], %sub3A_122 {strides = array<i32>} : memref<16x12800xf32, #tpu.memory_space<vmem>>, vector<1x12800xf32>,
    %mul3A_126 = arith.mulf %mul3A_81, %sub3A_122 : vector<1x12800xf32>
    %sub3A_127 = arith.subf %mul3A_126, %sub3A_117 : vector<1x12800xf32>
    %swap3A_128 = arith.constant 9 : index
    %swap3A_129 = arith.constant 0 : index
    %swap3A_130 = vector.load %arg2[%swap3A_128, %swap3A_129] : memref<16x12800xf32, #tpu.memory_space<vmem>>, vector<1x12800xf32>
    tpu.vector_store %arg2[%swap3A_128, %swap3A_129], %sub3A_127 {strides = array<i32>} : memref<16x12800xf32, #tpu.memory_space<vmem>>, vector<1x12800xf32>,
    %mul3A_131 = arith.mulf %mul3A_81, %sub3A_127 : vector<1x12800xf32>
    %sub3A_132 = arith.subf %mul3A_131, %sub3A_122 : vector<1x12800xf32>
    %swap3A_133 = arith.constant 10 : index
    %swap3A_134 = arith.constant 0 : index
    %swap3A_135 = vector.load %arg2[%swap3A_133, %swap3A_134] : memref<16x12800xf32, #tpu.memory_space<vmem>>, vector<1x12800xf32>
    tpu.vector_store %arg2[%swap3A_133, %swap3A_134], %sub3A_132 {strides = array<i32>} : memref<16x12800xf32, #tpu.memory_space<vmem>>, vector<1x12800xf32>,
    %mul3A_136 = arith.mulf %mul3A_81, %sub3A_132 : vector<1x12800xf32>
    %sub3A_137 = arith.subf %mul3A_136, %sub3A_127 : vector<1x12800xf32>
    %swap3A_138 = arith.constant 11 : index
    %swap3A_139 = arith.constant 0 : index
    %swap3A_140 = vector.load %arg2[%swap3A_138, %swap3A_139] : memref<16x12800xf32, #tpu.memory_space<vmem>>, vector<1x12800xf32>
    tpu.vector_store %arg2[%swap3A_138, %swap3A_139], %sub3A_137 {strides = array<i32>} : memref<16x12800xf32, #tpu.memory_space<vmem>>, vector<1x12800xf32>,
    %mul3A_141 = arith.mulf %mul3A_81, %sub3A_137 : vector<1x12800xf32>
    %sub3A_142 = arith.subf %mul3A_141, %sub3A_132 : vector<1x12800xf32>
    %swap3A_143 = arith.constant 12 : index
    %swap3A_144 = arith.constant 0 : index
    %swap3A_145 = vector.load %arg2[%swap3A_143, %swap3A_144] : memref<16x12800xf32, #tpu.memory_space<vmem>>, vector<1x12800xf32>
    tpu.vector_store %arg2[%swap3A_143, %swap3A_144], %sub3A_142 {strides = array<i32>} : memref<16x12800xf32, #tpu.memory_space<vmem>>, vector<1x12800xf32>,
    %mul3A_146 = arith.mulf %mul3A_81, %sub3A_142 : vector<1x12800xf32>
    %sub3A_147 = arith.subf %mul3A_146, %sub3A_137 : vector<1x12800xf32>
    %swap3A_148 = arith.constant 13 : index
    %swap3A_149 = arith.constant 0 : index
    %swap3A_150 = vector.load %arg2[%swap3A_148, %swap3A_149] : memref<16x12800xf32, #tpu.memory_space<vmem>>, vector<1x12800xf32>
    tpu.vector_store %arg2[%swap3A_148, %swap3A_149], %sub3A_147 {strides = array<i32>} : memref<16x12800xf32, #tpu.memory_space<vmem>>, vector<1x12800xf32>,
    %mul3A_151 = arith.mulf %mul3A_81, %sub3A_147 : vector<1x12800xf32>
    %sub3A_152 = arith.subf %mul3A_151, %sub3A_142 : vector<1x12800xf32>
    %swap3A_153 = arith.constant 14 : index
    %swap3A_154 = arith.constant 0 : index
    %swap3A_155 = vector.load %arg2[%swap3A_153, %swap3A_154] : memref<16x12800xf32, #tpu.memory_space<vmem>>, vector<1x12800xf32>
    tpu.vector_store %arg2[%swap3A_153, %swap3A_154], %sub3A_152 {strides = array<i32>} : memref<16x12800xf32, #tpu.memory_space<vmem>>, vector<1x12800xf32>,
    %mul3A_156 = arith.mulf %mul3A_81, %sub3A_152 : vector<1x12800xf32>
    %sub3A_157 = arith.subf %mul3A_156, %sub3A_147 : vector<1x12800xf32>
    %swap3A_158 = arith.constant 15 : index
    %swap3A_159 = arith.constant 0 : index
    %swap3A_160 = vector.load %arg2[%swap3A_158, %swap3A_159] : memref<16x12800xf32, #tpu.memory_space<vmem>>, vector<1x12800xf32>
    tpu.vector_store %arg2[%swap3A_158, %swap3A_159], %sub3A_157 {strides = array<i32>} : memref<16x12800xf32, #tpu.memory_space<vmem>>, vector<1x12800xf32>,
    return
  }
  func.func @transform_0(%arg0: i32) -> (i32, i32) {
    %c0_i32 = arith.constant 0 : i32
    %c0_i32_0 = arith.constant 0 : i32
    return %c0_i32, %arg0 : i32, i32
  }
  func.func @transform_1(%arg0: i32) -> (i32, i32) {
    %c0_i32 = arith.constant 0 : i32
    %c0_i32_0 = arith.constant 0 : i32
    return %c0_i32, %arg0 : i32, i32
  }
}

</mosaic_0001>

<sc_bundles>
// kernel: kernel.4.cloned.1.call-start
scs
__scs_entry_jumppad:
0x0: {  	(pc) =	sbr.rel $0x88, $3  }
0x1: {  	(tag) =	ssettag $0x0;
	lr =	simm.s32 $0x1  }
0x2: {  	[smem:$0x3F9D] =	sst lr;
	_ =	strace $0xD0000000  }
0x3: {  	_ = 	snop  }
0x4: {  	_ = 	snop  }
0x5: {  	_ = 	snop  }
0x6: {  	_ = 	snop  }
0x7: {  	_ = 	snop  }
__scs_overlays_trampoline_lowered:
0x8: {  	[smem:$0x3FAC] =	sst s0  }
0x9: {  	[smem:$0x3FAD] =	sst s1  }
0xa: {  	[smem:$0x3FAE] =	sst s2  }
0xb: {  	[smem:$0x3FAF] =	sst s3  }
0xc: {  	[smem:$0x3FB0] =	sst s4  }
0xd: {  	[smem:$0x3FB1] =	sst s5  }
0xe: {  	[smem:$0x3FB2] =	sst s6  }
0xf: {  	[smem:$0x3FB3] =	sst s7  }
0x10: {  	[smem:$0x3FB4] =	sst s8  }
0x11: {  	[smem:$0x3FB5] =	sst s9;
	s0 =	simm.s32 @!p0 $0x0  }
0x12: {  	s1 =	sld [smem:$0x3F9B];
	s0 =	simm.s32 @p0 $0x1  }
0x13: {  	[smem:$0x3FB6] =	sst s0;
	s0 =	simm.s32 @!p1 $0x0  }
0x14: {  	s2 =	sld [smem:$0x3F9A];
	s0 =	simm.s32 @p1 $0x1  }
0x15: {  	[smem:$0x3FB7] =	sst s0;
	s0 =	simm.s32 @!p2 $0x0  }
0x16: {  	s3 =	sld [smem:$0x3FDB];
	s0 =	simm.s32 @p2 $0x1  }
0x17: {  	s4 =	simm.s32 $0x1BF5;
	[smem:$0x3FB9] =	sst s0  }
0x18: {  	s0 =	sld [smem:$0x3F9C];
	_ =	swait.ge [sflag:s4], $0x0  }
0x19: {  	s7 =	sld [smem:$0x3F9D]  }
0x1a: {  	s8 =	sadd.s32 $0xFFFFE003, lr  }
0x1b: {  	s9 =	sadd.s32 $0xFFFFFEF7, lr;
	s5 =	simm.s32 $0xFFFFFFFF;
	p2 =	slt.u32 s8, $0xFFFFF086  }
0x1c: {  	p1 =	slt.u32 s9, $0xF7A;
	s5 =	simm.s32 @!p2 $0x0  }
0x1d: {  	s5 =	simm.s32 @p1 $0x1;
	p0 =	seq.s32 s7, s2  }
0x1e: {  	s7 =	smul.u32 @!p0 $0xF7A, s2;
	p2 =	seq.s32 @!p0 s5, $0x0  }
0x1f: {  	s9 =	smul.u32 $0xF7A, s1;
	s8 =	simm.s32 @!p0 $0x1BF5;
	p2 =	por !p2, p0  }
0x20: {  	[sflag:s8] =	ssyncset.s32 @!p0 $0xFFFFF086;
	s6 =	sadd.s32 @!p0 s3, s7;
	s7 =	simm.s32 @!p0 $0x108  }
0x21: {  	s3 =	sadd.s32 s3, s9;
	s6 =	sadd.s32 @!p0 $0x88, s6;
	s7 =	simm.s32 @p2 $0x1082  }
0x22: {  	[simem:s7], [sflag:s8] =	dma.local @!p0 [hbm:s6], $0xF7A  }
0x23: {  	s9 =	sor.u32 $0xD0000000, s2;
	s6 =	simm.s32 $0x108;
	_ =	swait.ge @!p0 [sflag:s8], $0x0  }
0x24: {  	s3 =	sadd.s32 $0x88, s3;
	s6 =	simm.s32 @!p1 $0x1082;
	[sflag:s4] =	ssyncset.s32 $0xFFFFF086  }
0x25: {  	[simem:s6], [sflag:s4] =	dma.local [hbm:s3], $0xF7A  }
0x26: {  	[smem:$0x3F9D] =	sst s1;
	(tag) =	ssettag s2;
	_ =	strace s9  }
0x27: {  	s1 =	sld [smem:$0x3FAD]  }
0x28: {  	s2 =	sld [smem:$0x3FAE]  }
0x29: {  	s4 =	sld [smem:$0x3FB0]  }
0x2a: {  	p0 =	seq.s32 s5, $0x0;
	s5 =	sld [smem:$0x3FB1]  }
0x2b: {  	s6 =	sld [smem:$0x3FB2]  }
0x2c: {  	s7 =	sld [smem:$0x3FB3]  }
0x2d: {  	s3 =	simm.s32 $0x108;
	s8 =	sld [smem:$0x3FB4]  }
0x2e: {  	s3 =	simm.s32 @!p0 $0x1082;
	s9 =	sld [smem:$0x3FB5]  }
0x2f: {  	lr =	sadd.s32 s0, s3;
	s0 =	sld [smem:$0x3FAC]  }
0x30: {  	s3 =	sld [smem:$0x3FAF]  }
0x31: {  	[smem:$0x3FB8] =	sst s10  }
0x32: {  	s10 =	sld [smem:$0x3FB6];
	_ =	sdelay $0x3  }
0x33: {  	p0 =	seq.s32 s10, $0x1;
	s10 =	sld [smem:$0x3FB8];
	_ =	sdelay $0x3  }
0x34: {  	[smem:$0x3FB8] =	sst s10  }
0x35: {  	s10 =	sld [smem:$0x3FB7];
	_ =	sdelay $0x3  }
0x36: {  	p1 =	seq.s32 s10, $0x1;
	s10 =	sld [smem:$0x3FB8];
	_ =	sdelay $0x3  }
0x37: {  	[smem:$0x3FB8] =	sst s10  }
0x38: {  	s10 =	sld [smem:$0x3FB9]  }
0x39: {  	_ = 	snop;
	(pc) =	sbr.ind lr, $3  }
0x3a: {  	_ = 	snop  }
0x3b: {  	_ = 	snop  }
0x3c: {  	p2 =	seq.s32 s10, $0x1;
	s10 =	sld [smem:$0x3FB8]  }
0x3d: {  	_ =	shalt  }
0x3e: {  	_ =	shalt  }
0x3f: {  	_ =	shalt  }
0x40: {  	_ =	shalt  }
0x41: {  	_ =	shalt  }
0x42: {  	_ =	shalt  }
0x43: {  	_ =	shalt  }
0x44: {  	_ =	shalt  }
0x45: {  	_ =	shalt  }
0x46: {  	_ =	shalt  }
0x47: {  	_ =	shalt  }
0x48: {  	_ =	shalt  }
0x49: {  	_ =	shalt  }
0x4a: {  	_ =	shalt  }
0x4b: {  	_ =	shalt  }
0x4c: {  	_ =	shalt  }
0x4d: {  	_ =	shalt  }
0x4e: {  	_ =	shalt  }
0x4f: {  	_ =	shalt  }
0x50: {  	_ =	shalt  }
0x51: {  	_ =	shalt  }
0x52: {  	_ =	shalt  }
0x53: {  	_ =	shalt  }
0x54: {  	_ =	shalt  }
0x55: {  	_ =	shalt  }
0x56: {  	_ =	shalt  }
0x57: {  	_ =	shalt  }
0x58: {  	_ =	shalt  }
0x59: {  	_ =	shalt  }
0x5a: {  	_ =	shalt  }
0x5b: {  	_ =	shalt  }
0x5c: {  	_ =	shalt  }
0x5d: {  	_ =	shalt  }
0x5e: {  	_ =	shalt  }
0x5f: {  	_ =	shalt  }
0x60: {  	_ =	shalt  }
0x61: {  	_ =	shalt  }
0x62: {  	_ =	shalt  }
0x63: {  	_ =	shalt  }
0x64: {  	_ =	shalt  }
0x65: {  	_ =	shalt  }
0x66: {  	_ =	shalt  }
0x67: {  	_ =	shalt  }
0x68: {  	_ =	shalt  }
0x69: {  	_ =	shalt  }
0x6a: {  	_ =	shalt  }
0x6b: {  	_ =	shalt  }
0x6c: {  	_ =	shalt  }
0x6d: {  	_ =	shalt  }
0x6e: {  	_ =	shalt  }
0x6f: {  	_ =	shalt  }
0x70: {  	_ =	shalt  }
0x71: {  	_ =	shalt  }
0x72: {  	_ =	shalt  }
0x73: {  	_ =	shalt  }
0x74: {  	_ =	shalt  }
0x75: {  	_ =	shalt  }
0x76: {  	_ =	shalt  }
0x77: {  	_ =	shalt  }
0x78: {  	_ =	shalt  }
0x79: {  	_ =	shalt  }
0x7a: {  	_ =	shalt  }
0x7b: {  	_ =	shalt  }
0x7c: {  	_ =	shalt  }
0x7d: {  	_ =	shalt  }
0x7e: {  	_ =	shalt  }
0x7f: {  	_ =	shalt  }
0x80: {  	_ =	shalt  }
0x81: {  	_ =	shalt  }
0x82: {  	_ =	shalt  }
0x83: {  	_ =	shalt  }
0x84: {  	_ =	shalt  }
0x85: {  	_ =	shalt  }
0x86: {  	_ =	shalt  }
0x87: {  	_ =	shalt  }
.Lfunc_end0:
.L_simem_size_0:
called_computation_lowered:
.L_overlay_start_0:
0x88: {  	s2 =	sld [smem:$0x3FD9]  }
0x89: {  	s3 =	sld [smem:$0x3FFE];
	_ =	sdelay $0x1  }
0x8a: {  	s1 =	srdreg.scid  }
0x8b: {  	s0 =	sand.u32 $0x1, s1  }
0x8c: {  	s14 =	sshll.u32 s0, $0xA;
	s2 =	sadd.s32 s3, s2  }
0x8d: {  	s2 =	sadd.s32 s2, s14  }
0x8e: {  	[smem:$0x3FC4] =	sst s2  }
0x8f: {  	_ = 	snop  }
0x90: {  	s2 =	sld [smem:$0x3FD0];
	_ =	sdelay $0x2  }
0x91: {  	s15 =	simm.s32 $0xA;
	s4 =	simm.s32 $0x10  }
0x92: {  	[smem:s4], [sflag:s15] =	dma.local [hbm:s2], $0x1  }
0x93: {  	_ =	swait.eq [sflag:s15], $0x1  }
0x94: {  	[sflag:s15] =	ssyncset.done $0x0  }
0x95: {  	s16 =	sld [smem:$0x10];
	[sflag:s15] =	ssyncadd.s32 $0xFFFFFFFF  }
0x96: {  	s17 =	sld [smem:$0x11];
	(tm) =	ssettm $0x1  }
0x97: {  	s18 =	sld [smem:$0x3FFB];
	_ =	sdelay $0x3  }
0x98: {  	_ =	strace s18  }
0x99: {  	s4 =	sld [smem:$0x3FFC];
	_ =	sdelay $0x3  }
0x9a: {  	_ =	strace s4  }
0x9b: {  	s4 =	sld [smem:$0x3FFD];
	_ =	sdelay $0x3  }
0x9c: {  	_ =	strace s4  }
0x9d: {  	_ =	strace $0x8FFFFFFF  }
0x9e: {  	s19 =	sld [smem:$0x3FDB];
	_ =	sdelay $0x1  }
0x9f: {  	s5 =	simm.s32 $_scs_section_size  }
0xa0: {  	s6 =	simm.s32 $_size__tile_overlayer_lowered;
	s7 =	simm.s32 $_tile_overlayer_lowered  }
0xa1: {  	s22 =	simm.s32 $0x1BFF;
	s21 =	sshll.u32 s7, $0x1;
	s4 =	sadd.s32 s5, s19  }
0xa2: {  	s8 =	simm.s32 $0x0;
	s20 =	sshll.u32 s6, $0x1;
	s6 =	sadd.s32 s21, s4  }
0xa3: {  	[timem:s8], [sflag:s22] =	dma.local [hbm:s6], s20  }
0xa4: {  	_ =	swait.ge [sflag:s22], s20  }
0xa5: {  	s5 =	ssub.s32 $0x0, s20;
	[sflag:s22] =	ssyncset.done $0x0  }
0xa6: {  	[sflag:s22] =	ssyncadd.s32 s5;
	_ =	sdelay $0x1  }
0xa7: {  	s23 =	simm.s32 $0x1B8B  }
0xa8: {  	_ =	swait.ge [sflag:s23], $0x1  }
0xa9: {  	[sflag:s23] =	ssyncset.done $0x0  }
0xaa: {  	s25 =	simm.s32 $0x1B8E;
	s24 =	sld [smem:$0x3FFE];
	[sflag:s23] =	ssyncadd.s32 $0xFFFFFFFF  }
0xab: {  	s26 =	simm.s32 $execute0_lowered;
	[smem:$0x3FD2] =	sst s25  }
0xac: {  	s6 =	sshll.u32 s26, $0x1;
	_ =	strace $0x80000046;
	[dreg:$0x1] =	wrdreg $0xFFFFFFFF  }
0xad: {  	s28 =	simm.s32 $_size_execute0_lowered;
	s4 =	sadd.s32 s4, s6;
	[dreg:$0x0] =	wrdreg $0x0  }
0xae: {  	s6 =	sshll.u32 s28, $0x1;
	[dreg:$0x2] =	wrdreg s4  }
0xaf: {  	[dreg:$0x3] =	wrdreg s6  }
0xb0: {  	[dreg:$0x4] =	wrdreg $0xC0  }
0xb1: {  	_ =	task [dreg:s8], $0x5FFFF  }
0xb2: {  	[dreg:$0x1] =	wrdreg $0xFFFFFFFF  }
0xb3: {  	[dreg:$0x0] =	wrdreg $0x60  }
0xb4: {  	[dreg:$0x2] =	wrdreg s17  }
0xb5: {  	[dreg:$0x3] =	wrdreg s16  }
0xb6: {  	[dreg:$0x4] =	wrdreg s24  }
0xb7: {  	[dreg:$0x5] =	wrdreg $0x9  }
0xb8: {  	_ =	task.clear_ibuf [dreg:s8], $0x6FFFF;
	_ =	strace $0x90000046  }
0xb9: {  	s29 =	simm.s32 $0x9;
	_ =	strace $0x80000048  }
0xba: {  	_ =	swait.ge [sflag:s29], $0x1  }
0xbb: {  	[sflag:s29] =	ssyncadd.s32 $0xFFFFFFFF  }
0xbc: {  	_ =	strace $0x90000048  }
0xbd: {  	_ =	sfence  }
0xbe: {  	s30 =	sld [smem:$0x0];
	_ =	sdelay $0x2  }
0xbf: {  	s31 =	sshll.u32 s1, $0xD;
	s1 =	sshrl.u32 s1, $0x2  }
0xc0: {  	s3 =	sand.u32 $0x4000, s31;
	s1 =	sadd.s32 s1, s30  }
0xc1: {  	s0 =	sor.u32 s3, s0;
	s1 =	sshll.u32 s1, $0x11  }
0xc2: {  	s0 =	sor.u32 s1, s0  }
0xc3: {  	s0 =	sadd.s32 $0x8F2B, s0  }
0xc4: {  	[sflag:s0] =	ssyncadd.remote.s32 $0x1  }
0xc5: {  	_ =	sfence.sel $0xFFFF  }
0xc6: {  	[dreg:$0x0] =	wrdreg $0xFFFFFFFF;
	(pc) =	sbr.abs _section_cstart, $3  }
0xc7: {  	[dreg:$0x1] =	wrdreg $0xFFFFFFFF  }
0xc8: {  	_ =	task.clear_ibuf [dreg:s8], $0x2FFFF;
	_ =	strace $0x9FFFFFFF  }
0xc9: {  	(tm) =	ssettm $0x7FFFFFFF  }
tec
execute0_lowered:
.L_overlay_start_1:
0x0: {  	(tag) =	ssettag $0x1  }
0x1: {  	s1 =	rddreg [dreg:$0x0]  }
0x2: {  	s2 =	rddreg [dreg:$0x1];
	s3 =	srdreg.scid  }
0x3: {  	s0 =	stileid.u32;
	s4 =	rddreg [dreg:$0x2]  }
0x4: {  	s23 =	simm.s32 $0x2;
	s5 =	sand.u32 $0x1, s3;
	s6 =	sshll.u32 s0, $0x1  }
0x5: {  	s24 =	simm.s32 $0x1;
	s25 =	simm.s32 $0x0;
	s6 =	sor.u32 s5, s6  }
0x6: {  	s3 =	simm.s32 $0x0;
	s19 =	sadd.s32 $0xA00, s4;
	s7 =	smul.u32 $0x190, s6  }
0x7: {  	[smem:$0x7FF] =	sst s3;
	s5 =	ssub.s32 $0x2, s5;
	s17 =	smul.u32 $0xC80, s6  }
0x8: {  	s20 =	sadd.s32 $0x19A00, s4;
	_ =	strace $0x80000047;
	s26 =	sshrl.u32 s5, $0x1  }
0x9: {  	s21 =	ssub.s32 s5, s26;
	s4 =	sadd.s32 s1, s7;
	s28 =	sor.u32 $0x10, s17  }
0xa: {  	s5 =	sadd.s32 s19, s17;
	s6 =	sadd.s32 s20, s17;
	s29 =	sor.u32 $0x20, s17  }
0xb: {  	s12 =	sor.u32 $0x30, s17;
	s30 =	sor.u32 $0x40, s17;
	s16 =	sor.u32 $0x50, s17  }
0xc: {  	s31 =	sor.u32 $0x60, s17;
	s22 =	sor.u32 $0x70, s17;
	s21 =	smax.u32 s21, $0x1  }
0xd: {  	s7 =	sadd.s32 s19, s28;
	s8 =	sadd.s32 s20, s28;
	s9 =	sadd.s32 s19, s29  }
0xe: {  	s10 =	sadd.s32 s20, s29;
	s11 =	sadd.s32 s19, s12;
	s12 =	sadd.s32 s20, s12  }
0xf: {  	s13 =	sadd.s32 s19, s30;
	s14 =	sadd.s32 s20, s30;
	s15 =	sadd.s32 s19, s16  }
0x10: {  	s16 =	sadd.s32 s20, s16;
	s17 =	sadd.s32 s19, s31;
	s18 =	sadd.s32 s20, s31  }
0x11: {  	s19 =	sadd.s32 s19, s22;
	s20 =	sadd.s32 s20, s22;
	s22 =	simm.s32 $0xC80  }
.LBB2_1:
0x12: {  	[tilespmem:s3], [sflag:$0x1] =	stream.linear.gather [hbm4b:s4+s3], $0xC80, $0x38;
	[tilespmem:$0xDB00] =	vst v63  }
0x13: {  	_ = 	snop  }
0x14: {  	[tilespmem:s22], [sflag:$0x2] =	stream.linear.gather [hbm4b:s2+s3], $0x680, $0x38;
	[tilespmem:$0xDB00] =	vst v63  }
0x15: {  	_ =	swait.ge [sflag:s23], $0x680  }
0x16: {  	[sflag:s23] =	ssyncset.done $0x0  }
0x17: {  	[sflag:s23] =	ssyncadd.s32 $0xFFFFF980  }
0x18: {  	_ =	swait.ge [sflag:s24], $0xC80  }
0x19: {  	[sflag:s24] =	ssyncset.done $0x0  }
0x1a: {  	[sflag:s24] =	ssyncadd.s32 $0xFFFFF380  }
0x1b: {  	v0 =	vld [tilespmem:s3+$0x0];
	_ =	sdelay $0x4  }
0x1c: {  	v0 =	vshll.u32 v0, $0x4;
	_ =	sdelay $0x4  }
0x1d: {  	v1 =	vld.idx.msk [tilespmem:v0+s22+$0x0], $0xffff  }
0x1e: {  	v2 =	vor.u32 $0x1, v0;
	_ =	sdelay $0x1  }
0x1f: {  	s1 =	sand.u32 $0x70, s3;
	s26 =	sand.u32 $0x7C00, s3  }
0x20: {  	s28 =	sor.u32 s1, s26  }
0x21: {  	[tilespmem:s28+$0x1300] =	vst v1  }
0x22: {  	v1 =	vld.idx.msk [tilespmem:v2+s22+$0x0], $0xffff  }
0x23: {  	v2 =	vor.u32 $0x2, v0;
	_ =	sdelay $0x3  }
0x24: {  	[tilespmem:s28+$0x1380] =	vst v1  }
0x25: {  	v1 =	vld.idx.msk [tilespmem:v2+s22+$0x0], $0xffff  }
0x26: {  	v2 =	vor.u32 $0x3, v0;
	_ =	sdelay $0x3  }
0x27: {  	[tilespmem:s28+$0x1400] =	vst v1  }
0x28: {  	v1 =	vld.idx.msk [tilespmem:v2+s22+$0x0], $0xffff  }
0x29: {  	v2 =	vor.u32 $0x4, v0;
	_ =	sdelay $0x3  }
0x2a: {  	[tilespmem:s28+$0x1480] =	vst v1  }
0x2b: {  	v1 =	vld.idx.msk [tilespmem:v2+s22+$0x0], $0xffff  }
0x2c: {  	v2 =	vor.u32 $0x5, v0;
	_ =	sdelay $0x3  }
0x2d: {  	[tilespmem:s28+$0x1500] =	vst v1  }
0x2e: {  	v1 =	vld.idx.msk [tilespmem:v2+s22+$0x0], $0xffff  }
0x2f: {  	v2 =	vor.u32 $0x6, v0;
	_ =	sdelay $0x3  }
0x30: {  	[tilespmem:s28+$0x1580] =	vst v1  }
0x31: {  	v1 =	vld.idx.msk [tilespmem:v2+s22+$0x0], $0xffff  }
0x32: {  	v2 =	vor.u32 $0x7, v0;
	_ =	sdelay $0x3  }
0x33: {  	[tilespmem:s28+$0x1600] =	vst v1  }
0x34: {  	v1 =	vld.idx.msk [tilespmem:v2+s22+$0x0], $0xffff  }
0x35: {  	s31 =	sand.u32 $0x7, s3;
	v2 =	vor.u32 $0x8, v0  }
0x36: {  	s1 =	sshll.u32 s31, $0x4  }
0x37: {  	s1 =	sadd.s32 $0x0, s1  }
0x38: {  	s1 =	sor.u32 $0x380, s1  }
0x39: {  	[tilespmem:s1+$0x1300] =	vst v1  }
0x3a: {  	v1 =	vld.idx.msk [tilespmem:v2+s22+$0x0], $0xffff  }
0x3b: {  	v2 =	vor.u32 $0x9, v0;
	_ =	sdelay $0x3  }
0x3c: {  	[tilespmem:s28+$0x7700] =	vst v1  }
0x3d: {  	v1 =	vld.idx.msk [tilespmem:v2+s22+$0x0], $0xffff  }
0x3e: {  	v2 =	vor.u32 $0xA, v0;
	_ =	sdelay $0x3  }
0x3f: {  	[tilespmem:s28+$0x7780] =	vst v1  }
0x40: {  	v1 =	vld.idx.msk [tilespmem:v2+s22+$0x0], $0xffff  }
0x41: {  	v2 =	vor.u32 $0xB, v0;
	_ =	sdelay $0x3  }
0x42: {  	[tilespmem:s28+$0x7800] =	vst v1  }
0x43: {  	v1 =	vld.idx.msk [tilespmem:v2+s22+$0x0], $0xffff  }
0x44: {  	v2 =	vor.u32 $0xC, v0;
	_ =	sdelay $0x3  }
0x45: {  	[tilespmem:s28+$0x7880] =	vst v1  }
0x46: {  	v1 =	vld.idx.msk [tilespmem:v2+s22+$0x0], $0xffff  }
0x47: {  	v2 =	vor.u32 $0xD, v0;
	_ =	sdelay $0x3  }
0x48: {  	[tilespmem:s28+$0x7900] =	vst v1  }
0x49: {  	v1 =	vld.idx.msk [tilespmem:v2+s22+$0x0], $0xffff  }
0x4a: {  	v2 =	vor.u32 $0xE, v0;
	_ =	sdelay $0x3  }
0x4b: {  	[tilespmem:s28+$0x7980] =	vst v1  }
0x4c: {  	v1 =	vld.idx.msk [tilespmem:v2+s22+$0x0], $0xffff  }
0x4d: {  	v0 =	vor.u32 $0xF, v0;
	_ =	sdelay $0x3  }
0x4e: {  	s29 =	simm.s32 $0x0;
	[tilespmem:s28+$0x7A00] =	vst v1  }
0x4f: {  	s30 =	simm.s32 $0x0;
	s26 =	simm.s32 $0x10;
	s28 =	simm.s32 $0x0;
	v0 =	vld.idx.msk [tilespmem:v0+s22+$0x0], $0xffff  }
.LBB2_2:
0x50: {  	_ =	sdelay $0x3  }
0x51: {  	s28 =	sadd.s32 $0x80, s28;
	s29 =	sadd.s32 $0x1, s29;
	s30 =	sadd.s32 $0x10, s30;
	[tilespmem:s1+$0x7700] =	vst v0  }
0x52: {  	p0 =	sne.s32 s26, $0xC70;
	s1 =	smov.u32 s26;
	s26 =	sadd.s32 $0x10, s26;
	v0 =	vld [tilespmem:s30+$0x0]  }
0x53: {  	_ =	sdelay $0x3  }
0x54: {  	v0 =	vshll.u32 v0, $0x4;
	_ =	sdelay $0x4  }
0x55: {  	v1 =	vld.idx.msk [tilespmem:v0+s22+$0x0], $0xffff;
	_ =	sdelay $0x1  }
0x56: {  	v2 =	vor.u32 $0x1, v0;
	_ =	sdelay $0x1  }
0x57: {  	s31 =	sand.u32 $0x7C00, s28;
	s1 =	sand.u32 $0x70, s1  }
0x58: {  	s31 =	sor.u32 s1, s31  }
0x59: {  	[tilespmem:s31+$0x1300] =	vst v1  }
0x5a: {  	v1 =	vld.idx.msk [tilespmem:v2+s22+$0x0], $0xffff;
	_ =	sdelay $0x1  }
0x5b: {  	v2 =	vor.u32 $0x2, v0;
	_ =	sdelay $0x3  }
0x5c: {  	[tilespmem:s31+$0x1380] =	vst v1  }
0x5d: {  	v1 =	vld.idx.msk [tilespmem:v2+s22+$0x0], $0xffff;
	_ =	sdelay $0x1  }
0x5e: {  	v2 =	vor.u32 $0x3, v0;
	_ =	sdelay $0x3  }
0x5f: {  	[tilespmem:s31+$0x1400] =	vst v1  }
0x60: {  	v1 =	vld.idx.msk [tilespmem:v2+s22+$0x0], $0xffff;
	_ =	sdelay $0x1  }
0x61: {  	v2 =	vor.u32 $0x4, v0;
	_ =	sdelay $0x3  }
0x62: {  	[tilespmem:s31+$0x1480] =	vst v1  }
0x63: {  	v1 =	vld.idx.msk [tilespmem:v2+s22+$0x0], $0xffff;
	_ =	sdelay $0x1  }
0x64: {  	v2 =	vor.u32 $0x5, v0;
	_ =	sdelay $0x3  }
0x65: {  	[tilespmem:s31+$0x1500] =	vst v1  }
0x66: {  	v1 =	vld.idx.msk [tilespmem:v2+s22+$0x0], $0xffff;
	_ =	sdelay $0x1  }
0x67: {  	v2 =	vor.u32 $0x6, v0;
	_ =	sdelay $0x3  }
0x68: {  	[tilespmem:s31+$0x1580] =	vst v1  }
0x69: {  	v1 =	vld.idx.msk [tilespmem:v2+s22+$0x0], $0xffff;
	_ =	sdelay $0x1  }
0x6a: {  	v2 =	vor.u32 $0x7, v0;
	_ =	sdelay $0x3  }
0x6b: {  	[tilespmem:s31+$0x1600] =	vst v1  }
0x6c: {  	v1 =	vld.idx.msk [tilespmem:v2+s22+$0x0], $0xffff;
	_ =	sdelay $0x1  }
0x6d: {  	s1 =	sand.u32 $0x7, s29;
	v2 =	vor.u32 $0x8, v0  }
0x6e: {  	s1 =	sshll.u32 s1, $0x4  }
0x6f: {  	s1 =	sadd.s32 s1, s28  }
0x70: {  	s1 =	sor.u32 $0x380, s1  }
0x71: {  	[tilespmem:s1+$0x1300] =	vst v1  }
0x72: {  	v1 =	vld.idx.msk [tilespmem:v2+s22+$0x0], $0xffff;
	_ =	sdelay $0x1  }
0x73: {  	v2 =	vor.u32 $0x9, v0;
	_ =	sdelay $0x3  }
0x74: {  	[tilespmem:s31+$0x7700] =	vst v1  }
0x75: {  	v1 =	vld.idx.msk [tilespmem:v2+s22+$0x0], $0xffff;
	_ =	sdelay $0x1  }
0x76: {  	v2 =	vor.u32 $0xA, v0;
	_ =	sdelay $0x3  }
0x77: {  	[tilespmem:s31+$0x7780] =	vst v1  }
0x78: {  	v1 =	vld.idx.msk [tilespmem:v2+s22+$0x0], $0xffff;
	_ =	sdelay $0x1  }
0x79: {  	v2 =	vor.u32 $0xB, v0;
	_ =	sdelay $0x3  }
0x7a: {  	[tilespmem:s31+$0x7800] =	vst v1  }
0x7b: {  	v1 =	vld.idx.msk [tilespmem:v2+s22+$0x0], $0xffff;
	_ =	sdelay $0x1  }
0x7c: {  	v2 =	vor.u32 $0xC, v0;
	_ =	sdelay $0x3  }
0x7d: {  	[tilespmem:s31+$0x7880] =	vst v1  }
0x7e: {  	v1 =	vld.idx.msk [tilespmem:v2+s22+$0x0], $0xffff;
	_ =	sdelay $0x1  }
0x7f: {  	v2 =	vor.u32 $0xD, v0;
	_ =	sdelay $0x3  }
0x80: {  	[tilespmem:s31+$0x7900] =	vst v1  }
0x81: {  	v1 =	vld.idx.msk [tilespmem:v2+s22+$0x0], $0xffff;
	_ =	sdelay $0x1  }
0x82: {  	v2 =	vor.u32 $0xE, v0;
	_ =	sdelay $0x3  }
0x83: {  	[tilespmem:s31+$0x7980] =	vst v1  }
0x84: {  	v1 =	vld.idx.msk [tilespmem:v2+s22+$0x0], $0xffff;
	_ =	sdelay $0x1  }
0x85: {  	v0 =	vor.u32 $0xF, v0  }
.Ltmp0:
0x86: {  	(pc) =	sbr.rel @p0 .LBB2_2-.Ltmp0, $3  }
0x87: {  	_ =	sdelay $0x1  }
0x88: {  	[tilespmem:s31+$0x7A00] =	vst v1  }
0x89: {  	v0 =	vld.idx.msk [tilespmem:v0+s22+$0x0], $0xffff  }
0x8a: {  	_ =	sdelay $0x2  }
0x8b: {  	s26 =	simm.s32 $0x1300  }
0x8c: {  	s29 =	sadd.s32 $0x0, s5;
	s28 =	simm.s32 $0x1700;
	[tilespmem:s1+$0x7700] =	vst v0;
	s1 =	simm.s32 $0x80  }
.LBB2_4:
0x8d: {  	[hbm4b:s29+s3] =	stream.linear.scatter [tilespmem:s26], [sflag:$0x1], $0x80, $0x38;
	[tilespmem:$0xDB00] =	vst v63  }
0x8e: {  	s29 =	smov.u32 s1;
	s26 =	smov.u32 s28;
	p0 =	sne.s32 s1, $0xC00  }
.Ltmp1:
0x8f: {  	s1 =	sadd.s32 $0x80, s1;
	(pc) =	sbr.rel @p0 .LBB2_4-.Ltmp1, $2  }
0x90: {  	_ =	sdelay $0x2  }
0x91: {  	s28 =	sadd.s32 $0x400, s28;
	s29 =	sadd.s32 s29, s5  }
0x92: {  	[hbm4b:s29+s3] =	stream.linear.scatter [tilespmem:s26], [sflag:$0x1], $0x80, $0x38;
	[tilespmem:$0xDB00] =	vst v63  }
0x93: {  	s1 =	simm.s32 $0x7700  }
0x94: {  	s26 =	simm.s32 $0x80;
	s29 =	sadd.s32 $0x0, s6;
	s28 =	simm.s32 $0x7B00  }
.LBB2_6:
0x95: {  	[hbm4b:s29+s3] =	stream.linear.scatter [tilespmem:s1], [sflag:$0x1], $0x80, $0x38;
	[tilespmem:$0xDB00] =	vst v63  }
0x96: {  	s29 =	smov.u32 s26;
	s1 =	smov.u32 s28;
	p0 =	sne.s32 s26, $0xC00  }
.Ltmp2:
0x97: {  	s26 =	sadd.s32 $0x80, s26;
	(pc) =	sbr.rel @p0 .LBB2_6-.Ltmp2, $2  }
0x98: {  	_ =	sdelay $0x2  }
0x99: {  	s28 =	sadd.s32 $0x400, s28;
	s29 =	sadd.s32 s29, s6  }
0x9a: {  	[hbm4b:s29+s3] =	stream.linear.scatter [tilespmem:s1], [sflag:$0x1], $0x80, $0x38;
	[tilespmem:$0xDB00] =	vst v63  }
0x9b: {  	s1 =	simm.s32 $0x1380  }
0x9c: {  	s26 =	simm.s32 $0x80;
	s29 =	sadd.s32 $0x0, s7;
	s28 =	simm.s32 $0x1780  }
.LBB2_8:
0x9d: {  	[hbm4b:s29+s3] =	stream.linear.scatter [tilespmem:s1], [sflag:$0x1], $0x80, $0x38;
	[tilespmem:$0xDB00] =	vst v63  }
0x9e: {  	s29 =	smov.u32 s26;
	s1 =	smov.u32 s28;
	p0 =	sne.s32 s26, $0xC00  }
.Ltmp3:
0x9f: {  	s26 =	sadd.s32 $0x80, s26;
	(pc) =	sbr.rel @p0 .LBB2_8-.Ltmp3, $2  }
0xa0: {  	_ =	sdelay $0x2  }
0xa1: {  	s28 =	sadd.s32 $0x400, s28;
	s29 =	sadd.s32 s29, s7  }
0xa2: {  	[hbm4b:s29+s3] =	stream.linear.scatter [tilespmem:s1], [sflag:$0x1], $0x80, $0x38;
	[tilespmem:$0xDB00] =	vst v63  }
0xa3: {  	s1 =	simm.s32 $0x7780  }
0xa4: {  	s26 =	simm.s32 $0x80;
	s29 =	sadd.s32 $0x0, s8;
	s28 =	simm.s32 $0x7B80  }
.LBB2_10:
0xa5: {  	[hbm4b:s29+s3] =	stream.linear.scatter [tilespmem:s1], [sflag:$0x1], $0x80, $0x38;
	[tilespmem:$0xDB00] =	vst v63  }
0xa6: {  	s29 =	smov.u32 s26;
	s1 =	smov.u32 s28;
	p0 =	sne.s32 s26, $0xC00  }
.Ltmp4:
0xa7: {  	s26 =	sadd.s32 $0x80, s26;
	(pc) =	sbr.rel @p0 .LBB2_10-.Ltmp4, $2  }
0xa8: {  	_ =	sdelay $0x2  }
0xa9: {  	s28 =	sadd.s32 $0x400, s28;
	s29 =	sadd.s32 s29, s8  }
0xaa: {  	[hbm4b:s29+s3] =	stream.linear.scatter [tilespmem:s1], [sflag:$0x1], $0x80, $0x38;
	[tilespmem:$0xDB00] =	vst v63  }
0xab: {  	s1 =	simm.s32 $0x1400  }
0xac: {  	s26 =	simm.s32 $0x80;
	s29 =	sadd.s32 $0x0, s9;
	s28 =	simm.s32 $0x1800  }
.LBB2_12:
0xad: {  	[hbm4b:s29+s3] =	stream.linear.scatter [tilespmem:s1], [sflag:$0x1], $0x80, $0x38;
	[tilespmem:$0xDB00] =	vst v63  }
0xae: {  	s29 =	smov.u32 s26;
	s1 =	smov.u32 s28;
	p0 =	sne.s32 s26, $0xC00  }
.Ltmp5:
0xaf: {  	s26 =	sadd.s32 $0x80, s26;
	(pc) =	sbr.rel @p0 .LBB2_12-.Ltmp5, $2  }
0xb0: {  	_ =	sdelay $0x2  }
0xb1: {  	s28 =	sadd.s32 $0x400, s28;
	s29 =	sadd.s32 s29, s9  }
0xb2: {  	[hbm4b:s29+s3] =	stream.linear.scatter [tilespmem:s1], [sflag:$0x1], $0x80, $0x38;
	[tilespmem:$0xDB00] =	vst v63  }
0xb3: {  	s1 =	simm.s32 $0x7800  }
0xb4: {  	s26 =	simm.s32 $0x80;
	s29 =	sadd.s32 $0x0, s10;
	s28 =	simm.s32 $0x7C00  }
.LBB2_14:
0xb5: {  	[hbm4b:s29+s3] =	stream.linear.scatter [tilespmem:s1], [sflag:$0x1], $0x80, $0x38;
	[tilespmem:$0xDB00] =	vst v63  }
0xb6: {  	s29 =	smov.u32 s26;
	s1 =	smov.u32 s28;
	p0 =	sne.s32 s26, $0xC00  }
.Ltmp6:
0xb7: {  	s26 =	sadd.s32 $0x80, s26;
	(pc) =	sbr.rel @p0 .LBB2_14-.Ltmp6, $2  }
0xb8: {  	_ =	sdelay $0x2  }
0xb9: {  	s28 =	sadd.s32 $0x400, s28;
	s29 =	sadd.s32 s29, s10  }
0xba: {  	[hbm4b:s29+s3] =	stream.linear.scatter [tilespmem:s1], [sflag:$0x1], $0x80, $0x38;
	[tilespmem:$0xDB00] =	vst v63  }
0xbb: {  	s1 =	simm.s32 $0x1480  }
0xbc: {  	s26 =	simm.s32 $0x80;
	s29 =	sadd.s32 $0x0, s11;
	s28 =	simm.s32 $0x1880  }
.LBB2_16:
0xbd: {  	[hbm4b:s29+s3] =	stream.linear.scatter [tilespmem:s1], [sflag:$0x1], $0x80, $0x38;
	[tilespmem:$0xDB00] =	vst v63  }
0xbe: {  	s29 =	smov.u32 s26;
	s1 =	smov.u32 s28;
	p0 =	sne.s32 s26, $0xC00  }
.Ltmp7:
0xbf: {  	s26 =	sadd.s32 $0x80, s26;
	(pc) =	sbr.rel @p0 .LBB2_16-.Ltmp7, $2  }
0xc0: {  	_ =	sdelay $0x2  }
0xc1: {  	s28 =	sadd.s32 $0x400, s28;
	s29 =	sadd.s32 s29, s11  }
0xc2: {  	[hbm4b:s29+s3] =	stream.linear.scatter [tilespmem:s1], [sflag:$0x1], $0x80, $0x38;
	[tilespmem:$0xDB00] =	vst v63  }
0xc3: {  	s1 =	simm.s32 $0x7880  }
0xc4: {  	s26 =	simm.s32 $0x80;
	s29 =	sadd.s32 $0x0, s12;
	s28 =	simm.s32 $0x7C80  }
.LBB2_18:
0xc5: {  	[hbm4b:s29+s3] =	stream.linear.scatter [tilespmem:s1], [sflag:$0x1], $0x80, $0x38;
	[tilespmem:$0xDB00] =	vst v63  }
0xc6: {  	s29 =	smov.u32 s26;
	s1 =	smov.u32 s28;
	p0 =	sne.s32 s26, $0xC00  }
.Ltmp8:
0xc7: {  	s26 =	sadd.s32 $0x80, s26;
	(pc) =	sbr.rel @p0 .LBB2_18-.Ltmp8, $2  }
0xc8: {  	_ =	sdelay $0x2  }
0xc9: {  	s28 =	sadd.s32 $0x400, s28;
	s29 =	sadd.s32 s29, s12  }
0xca: {  	[hbm4b:s29+s3] =	stream.linear.scatter [tilespmem:s1], [sflag:$0x1], $0x80, $0x38;
	[tilespmem:$0xDB00] =	vst v63  }
0xcb: {  	s1 =	simm.s32 $0x1500  }
0xcc: {  	s26 =	simm.s32 $0x80;
	s29 =	sadd.s32 $0x0, s13;
	s28 =	simm.s32 $0x1900  }
.LBB2_20:
0xcd: {  	[hbm4b:s29+s3] =	stream.linear.scatter [tilespmem:s1], [sflag:$0x1], $0x80, $0x38;
	[tilespmem:$0xDB00] =	vst v63  }
0xce: {  	s29 =	smov.u32 s26;
	s1 =	smov.u32 s28;
	p0 =	sne.s32 s26, $0xC00  }
.Ltmp9:
0xcf: {  	s26 =	sadd.s32 $0x80, s26;
	(pc) =	sbr.rel @p0 .LBB2_20-.Ltmp9, $2  }
0xd0: {  	_ =	sdelay $0x2  }
0xd1: {  	s28 =	sadd.s32 $0x400, s28;
	s29 =	sadd.s32 s29, s13  }
0xd2: {  	[hbm4b:s29+s3] =	stream.linear.scatter [tilespmem:s1], [sflag:$0x1], $0x80, $0x38;
	[tilespmem:$0xDB00] =	vst v63  }
0xd3: {  	s1 =	simm.s32 $0x7900  }
0xd4: {  	s26 =	simm.s32 $0x80;
	s29 =	sadd.s32 $0x0, s14;
	s28 =	simm.s32 $0x7D00  }
.LBB2_22:
0xd5: {  	[hbm4b:s29+s3] =	stream.linear.scatter [tilespmem:s1], [sflag:$0x1], $0x80, $0x38;
	[tilespmem:$0xDB00] =	vst v63  }
0xd6: {  	s29 =	smov.u32 s26;
	s1 =	smov.u32 s28;
	p0 =	sne.s32 s26, $0xC00  }
.Ltmp10:
0xd7: {  	s26 =	sadd.s32 $0x80, s26;
	(pc) =	sbr.rel @p0 .LBB2_22-.Ltmp10, $2  }
0xd8: {  	_ =	sdelay $0x2  }
0xd9: {  	s28 =	sadd.s32 $0x400, s28;
	s29 =	sadd.s32 s29, s14  }
0xda: {  	[hbm4b:s29+s3] =	stream.linear.scatter [tilespmem:s1], [sflag:$0x1], $0x80, $0x38;
	[tilespmem:$0xDB00] =	vst v63  }
0xdb: {  	s1 =	simm.s32 $0x1580  }
0xdc: {  	s26 =	simm.s32 $0x80;
	s29 =	sadd.s32 $0x0, s15;
	s28 =	simm.s32 $0x1980  }
.LBB2_24:
0xdd: {  	[hbm4b:s29+s3] =	stream.linear.scatter [tilespmem:s1], [sflag:$0x1], $0x80, $0x38;
	[tilespmem:$0xDB00] =	vst v63  }
0xde: {  	s29 =	smov.u32 s26;
	s1 =	smov.u32 s28;
	p0 =	sne.s32 s26, $0xC00  }
.Ltmp11:
0xdf: {  	s26 =	sadd.s32 $0x80, s26;
	(pc) =	sbr.rel @p0 .LBB2_24-.Ltmp11, $2  }
0xe0: {  	_ =	sdelay $0x2  }
0xe1: {  	s28 =	sadd.s32 $0x400, s28;
	s29 =	sadd.s32 s29, s15  }
0xe2: {  	[hbm4b:s29+s3] =	stream.linear.scatter [tilespmem:s1], [sflag:$0x1], $0x80, $0x38;
	[tilespmem:$0xDB00] =	vst v63  }
0xe3: {  	s1 =	simm.s32 $0x7980  }
0xe4: {  	s26 =	simm.s32 $0x80;
	s29 =	sadd.s32 $0x0, s16;
	s28 =	simm.s32 $0x7D80  }
.LBB2_26:
0xe5: {  	[hbm4b:s29+s3] =	stream.linear.scatter [tilespmem:s1], [sflag:$0x1], $0x80, $0x38;
	[tilespmem:$0xDB00] =	vst v63  }
0xe6: {  	s29 =	smov.u32 s26;
	s1 =	smov.u32 s28;
	p0 =	sne.s32 s26, $0xC00  }
.Ltmp12:
0xe7: {  	s26 =	sadd.s32 $0x80, s26;
	(pc) =	sbr.rel @p0 .LBB2_26-.Ltmp12, $2  }
0xe8: {  	_ =	sdelay $0x2  }
0xe9: {  	s28 =	sadd.s32 $0x400, s28;
	s29 =	sadd.s32 s29, s16  }
0xea: {  	[hbm4b:s29+s3] =	stream.linear.scatter [tilespmem:s1], [sflag:$0x1], $0x80, $0x38;
	[tilespmem:$0xDB00] =	vst v63  }
0xeb: {  	s1 =	simm.s32 $0x1600  }
0xec: {  	s26 =	simm.s32 $0x80;
	s29 =	sadd.s32 $0x0, s17;
	s28 =	simm.s32 $0x1A00  }
.LBB2_28:
0xed: {  	[hbm4b:s29+s3] =	stream.linear.scatter [tilespmem:s1], [sflag:$0x1], $0x80, $0x38;
	[tilespmem:$0xDB00] =	vst v63  }
0xee: {  	s29 =	smov.u32 s26;
	s1 =	smov.u32 s28;
	p0 =	sne.s32 s26, $0xC00  }
.Ltmp13:
0xef: {  	s26 =	sadd.s32 $0x80, s26;
	(pc) =	sbr.rel @p0 .LBB2_28-.Ltmp13, $2  }
0xf0: {  	_ =	sdelay $0x2  }
0xf1: {  	s28 =	sadd.s32 $0x400, s28;
	s29 =	sadd.s32 s29, s17  }
0xf2: {  	[hbm4b:s29+s3] =	stream.linear.scatter [tilespmem:s1], [sflag:$0x1], $0x80, $0x38;
	[tilespmem:$0xDB00] =	vst v63  }
0xf3: {  	s1 =	simm.s32 $0x7A00  }
0xf4: {  	s26 =	simm.s32 $0x80;
	s29 =	sadd.s32 $0x0, s18;
	s28 =	simm.s32 $0x7E00  }
.LBB2_30:
0xf5: {  	[hbm4b:s29+s3] =	stream.linear.scatter [tilespmem:s1], [sflag:$0x1], $0x80, $0x38;
	[tilespmem:$0xDB00] =	vst v63  }
0xf6: {  	s29 =	smov.u32 s26;
	s1 =	smov.u32 s28;
	p0 =	sne.s32 s26, $0xC00  }
.Ltmp14:
0xf7: {  	s26 =	sadd.s32 $0x80, s26;
	(pc) =	sbr.rel @p0 .LBB2_30-.Ltmp14, $2  }
0xf8: {  	_ =	sdelay $0x2  }
0xf9: {  	s28 =	sadd.s32 $0x400, s28;
	s29 =	sadd.s32 s29, s18  }
0xfa: {  	[hbm4b:s29+s3] =	stream.linear.scatter [tilespmem:s1], [sflag:$0x1], $0x80, $0x38;
	[tilespmem:$0xDB00] =	vst v63  }
0xfb: {  	s1 =	simm.s32 $0x1680  }
0xfc: {  	s26 =	simm.s32 $0x80;
	s29 =	sadd.s32 $0x0, s19;
	s28 =	simm.s32 $0x1A80  }
.LBB2_32:
0xfd: {  	[hbm4b:s29+s3] =	stream.linear.scatter [tilespmem:s1], [sflag:$0x1], $0x80, $0x38;
	[tilespmem:$0xDB00] =	vst v63  }
0xfe: {  	s29 =	smov.u32 s26;
	s1 =	smov.u32 s28;
	p0 =	sne.s32 s26, $0xC00  }
.Ltmp15:
0xff: {  	s26 =	sadd.s32 $0x80, s26;
	(pc) =	sbr.rel @p0 .LBB2_32-.Ltmp15, $2  }
0x100: {  	_ =	sdelay $0x2  }
0x101: {  	s28 =	sadd.s32 $0x400, s28;
	s29 =	sadd.s32 s29, s19  }
0x102: {  	[hbm4b:s29+s3] =	stream.linear.scatter [tilespmem:s1], [sflag:$0x1], $0x80, $0x38;
	[tilespmem:$0xDB00] =	vst v63  }
0x103: {  	s1 =	simm.s32 $0x7A80  }
0x104: {  	s26 =	simm.s32 $0x80;
	s29 =	sadd.s32 $0x0, s20;
	s28 =	simm.s32 $0x7E80  }
.LBB2_34:
0x105: {  	[hbm4b:s29+s3] =	stream.linear.scatter [tilespmem:s1], [sflag:$0x1], $0x80, $0x38;
	[tilespmem:$0xDB00] =	vst v63  }
0x106: {  	s29 =	smov.u32 s26;
	s1 =	smov.u32 s28;
	p0 =	sne.s32 s26, $0xC00  }
.Ltmp16:
0x107: {  	s26 =	sadd.s32 $0x80, s26;
	(pc) =	sbr.rel @p0 .LBB2_34-.Ltmp16, $2  }
0x108: {  	_ =	sdelay $0x2  }
0x109: {  	s28 =	sadd.s32 $0x400, s28;
	s29 =	sadd.s32 s29, s20  }
0x10a: {  	[hbm4b:s29+s3] =	stream.linear.scatter [tilespmem:s1], [sflag:$0x1], $0x80, $0x38;
	[tilespmem:$0xDB00] =	vst v63  }
0x10b: {  	_ =	swait.ge [sflag:s24], $0xC80  }
0x10c: {  	[sflag:s24] =	ssyncset.done $0x0  }
0x10d: {  	[sflag:s24] =	ssyncadd.s32 $0xFFFFF380  }
0x10e: {  	_ =	swait.ge [sflag:s24], $0xC80  }
0x10f: {  	[sflag:s24] =	ssyncset.done $0x0  }
0x110: {  	[sflag:s24] =	ssyncadd.s32 $0xFFFFF380  }
0x111: {  	_ =	swait.ge [sflag:s24], $0xC80  }
0x112: {  	[sflag:s24] =	ssyncset.done $0x0  }
0x113: {  	[sflag:s24] =	ssyncadd.s32 $0xFFFFF380  }
0x114: {  	_ =	swait.ge [sflag:s24], $0xC80  }
0x115: {  	[sflag:s24] =	ssyncset.done $0x0  }
0x116: {  	[sflag:s24] =	ssyncadd.s32 $0xFFFFF380  }
0x117: {  	_ =	swait.ge [sflag:s24], $0xC80  }
0x118: {  	[sflag:s24] =	ssyncset.done $0x0  }
0x119: {  	[sflag:s24] =	ssyncadd.s32 $0xFFFFF380  }
0x11a: {  	_ =	swait.ge [sflag:s24], $0xC80  }
0x11b: {  	[sflag:s24] =	ssyncset.done $0x0  }
0x11c: {  	[sflag:s24] =	ssyncadd.s32 $0xFFFFF380  }
0x11d: {  	_ =	swait.ge [sflag:s24], $0xC80  }
0x11e: {  	[sflag:s24] =	ssyncset.done $0x0  }
0x11f: {  	[sflag:s24] =	ssyncadd.s32 $0xFFFFF380  }
0x120: {  	_ =	swait.ge [sflag:s24], $0xC80  }
0x121: {  	[sflag:s24] =	ssyncset.done $0x0  }
0x122: {  	[sflag:s24] =	ssyncadd.s32 $0xFFFFF380  }
0x123: {  	_ =	swait.ge [sflag:s24], $0xC80  }
0x124: {  	[sflag:s24] =	ssyncset.done $0x0  }
0x125: {  	[sflag:s24] =	ssyncadd.s32 $0xFFFFF380  }
0x126: {  	_ =	swait.ge [sflag:s24], $0xC80  }
0x127: {  	[sflag:s24] =	ssyncset.done $0x0  }
0x128: {  	[sflag:s24] =	ssyncadd.s32 $0xFFFFF380  }
0x129: {  	_ =	swait.ge [sflag:s24], $0xC80  }
0x12a: {  	[sflag:s24] =	ssyncset.done $0x0  }
0x12b: {  	[sflag:s24] =	ssyncadd.s32 $0xFFFFF380  }
0x12c: {  	_ =	swait.ge [sflag:s24], $0xC80  }
0x12d: {  	[sflag:s24] =	ssyncset.done $0x0  }
0x12e: {  	[sflag:s24] =	ssyncadd.s32 $0xFFFFF380  }
0x12f: {  	_ =	swait.ge [sflag:s24], $0xC80  }
0x130: {  	[sflag:s24] =	ssyncset.done $0x0  }
0x131: {  	[sflag:s24] =	ssyncadd.s32 $0xFFFFF380  }
0x132: {  	_ =	swait.ge [sflag:s24], $0xC80  }
0x133: {  	[sflag:s24] =	ssyncset.done $0x0  }
0x134: {  	s25 =	sadd.s32 $0x1, s25;
	[sflag:s24] =	ssyncadd.s32 $0xFFFFF380  }
0x135: {  	p0 =	sne.s32 s25, s21;
	_ =	swait.ge [sflag:s24], $0xC80  }
.Ltmp17:
0x136: {  	[sflag:s24] =	ssyncset.done $0x0;
	(pc) =	sbr.rel @p0 .LBB2_1-.Ltmp17, $4  }
0x137: {  	[sflag:s24] =	ssyncadd.s32 $0xFFFFF380  }
0x138: {  	_ =	swait.ge [sflag:s24], $0xC80  }
0x139: {  	[sflag:s24] =	ssyncset.done $0x0  }
0x13a: {  	[sflag:s24] =	ssyncadd.s32 $0xFFFFF380  }
0x13b: {  	_ =	sfence.sel $0x180000  }
0x13c: {  	[bflag:$0x0] =	sbarrier.arrive $0xFFFF  }
0x13d: {  	_ =	strace $0x90000047  }
0x13e: {  	[bflag:$0x2] =	sbarrier.arrive $0xFFFF  }
0x13f: {  	p0 =	sne.s32 s0, $0x0;
	s0 =	rddreg [dreg:$0x3]  }
0x140: {  	s0 =	sadd.s32 @!p0 $0x100000, s0  }
0x141: {  	[sflag:s0] =	ssyncadd.tile.s32 @!p0 $0x1;
	_ =	shalt  }
.Lfunc_end2:
_tile_overlayer_lowered:
.L_overlay_start_2:
0x142: {  	(tag) =	ssettag $0x2  }
0x143: {  	s0 =	rddreg [dreg:$0x0];
	s2 =	stileid.u32  }
0x144: {  	s1 =	rddreg [dreg:$0x1];
	p0 =	sne.s32 s2, $0x0  }
0x145: {  	s3 =	rddreg [dreg:$0x2];
	[bflag:$0x3] =	sbarrier.arrive $0xFFFF;
	s2 =	simm.s32 @!p0 $0x1C02  }
0x146: {  	[timem:s3], [sflag:s2] =	dma.local @!p0 [hbm:s0], s1  }
0x147: {  	s0 =	simm.s32 @!p0 $0x2  }
0x148: {  	_ =	swait.ge @!p0 [sflag:s0], s1  }
0x149: {  	s1 =	ssub.s32 @!p0 $0x0, s1;
	[sflag:s0] =	ssyncset.done @!p0 $0x0  }
0x14a: {  	[sflag:s0] =	ssyncadd.s32 @!p0 s1  }
0x14b: {  	[bflag:$0x3] =	sbarrier.arrive $0xFFFF  }
0x14c: {  	_ =	shalt  }

</sc_bundles>
